<compile_context>
chip_gen: v7x
topology: tpu7x:2x2x1
jax: 0.10.2.dev20260603
libtpu: 0.0.44.dev20260713+nightly
codegen_flags: <defaults>
</compile_context>

<pallas_src>
import functools

import jax
import jax.numpy as jnp
from jax import lax
from jax.experimental import pallas as pl
from jax.experimental.pallas import tpu as pltpu
from jax.experimental.pallas import tpu_sc as plsc

N_NUM = 10
N_CAT = 26
N_TOT = N_CAT + N_NUM
B = 4096
D = 128
VOCAB = 1000

NC = 2
NS = 16
NW = NC * NS
BPW = B // NW

N_BUF = 7
LOOKAHEAD = 5

_mesh = plsc.VectorSubcoreMesh(
    core_axis_name="c", subcore_axis_name="s", num_cores=NC, num_subcores=NS
)


@functools.partial(
    pl.kernel,
    out_type=jax.ShapeDtypeStruct((N_TOT, B, D), jnp.float32),
    mesh=_mesh,
    scratch_types=(
        [pltpu.VMEM((N_CAT, BPW), jnp.int32)]
        + [pltpu.VMEM((BPW, D), jnp.float32) for _ in range(N_BUF)]
        + [pltpu.SemaphoreType.DMA for _ in range(2 * N_BUF)]
    ),
)
def _gather_kernel(tables, idx, out, idx_v, *rest):
    gbufs = rest[:N_BUF]
    gsems = rest[N_BUF:2 * N_BUF]
    wsems = rest[2 * N_BUF:]

    wid = lax.axis_index("s") * NC + lax.axis_index("c")
    b0 = wid * BPW

    pltpu.sync_copy(idx.at[:, pl.ds(b0, BPW)], idx_v)

    def gather(f):
        return pltpu.async_copy(
            tables.at[f].at[idx_v.at[f]], gbufs[f % N_BUF], gsems[f % N_BUF]
        )

    gc = [None] * N_CAT
    wc = [None] * N_CAT
    waited = set()
    for f in range(LOOKAHEAD):
        gc[f] = gather(f)
    for f in range(N_CAT):
        nf = f + LOOKAHEAD
        if nf < N_CAT:
            if nf - N_BUF >= 0:
                wc[nf - N_BUF].wait()
                waited.add(nf - N_BUF)
            gc[nf] = gather(nf)
        gc[f].wait()
        wc[f] = pltpu.async_copy(
            gbufs[f % N_BUF], out.at[f, pl.ds(b0, BPW)], wsems[f % N_BUF]
        )
    for f in range(N_CAT):
        if f not in waited:
            wc[f].wait()


def _num_body(x_ref, w_ref, cat_ref, o_ref):
    del cat_ref
    o_ref[0] = x_ref[...][:, None] * w_ref[...][None, :]


_num_call = pl.pallas_call(
    _num_body,
    out_shape=jax.ShapeDtypeStruct((N_TOT, B, D), jnp.float32),
    grid=(N_NUM,),
    in_specs=[
        pl.BlockSpec((B,), lambda j: (j,)),
        pl.BlockSpec((D,), lambda j: (j,)),
        pl.BlockSpec((1, 8, D), lambda j: (0, 0, 0)),
    ],
    out_specs=pl.BlockSpec((1, B, D), lambda j: (N_CAT + j, 0, 0)),
    input_output_aliases={2: 0},
)


def kernel(num_features, cat_features, cat_tables, num_weights):
    idx = cat_features.astype(jnp.int32)
    xs = num_features.reshape(N_NUM * B)
    ws = num_weights.reshape(N_NUM * D)
    cat = _gather_kernel(cat_tables, idx)
    out = _num_call(xs, ws, cat)
    return jnp.transpose(out, (1, 0, 2))

# --- scband reference (transcript-rebuilt; emitter-appended) ---
"""Pipeline reference for scband-embedding-layer-75024488726922 (READ-ONLY COPY).

The authoritative reference and input builder live on the scoring server;
editing this copy changes nothing except your own understanding.
"""

import jax, jax.numpy as jnp
import numpy as np

N_NUM = 10
N_CAT = 26
B = 4096
D = 128
VOCAB = 1000

def setup_inputs(seed: int = 0) -> dict:
    key = jax.random.key(seed)
    k1, k2, k3, k4 = jax.random.split(key, 4)
    # forward inputs
    num_features = jax.random.normal(k1, (N_NUM, B, 1), dtype=jnp.float32)
    cat_features = jax.random.randint(k2, (N_CAT, B), 0, VOCAB)
    # learned parameters
    # per-field embedding tables: nn.Embedding(categories + 1, d_model)
    cat_tables = jax.random.normal(k3, (N_CAT, VOCAB + 1, D), dtype=jnp.float32) * 0.02
    # per numerical feature: nn.Linear(1, d_model, bias=False) -> weight stored as [in, out]
    num_weights = jax.random.normal(k4, (N_NUM, 1, D), dtype=jnp.float32) * 0.05
    return {
        "num_features": num_features,
        "cat_features": cat_features,
        "cat_tables": cat_tables,
        "num_weights": num_weights,
    }

def reference(num_features, cat_features, cat_tables, num_weights):
    # categorical: per-field embedding lookup (gather), then stack along dim=1
    # cat_tables: [N_CAT, VOCAB+1, D], cat_features: [N_CAT, B] -> [N_CAT, B, D]
    cat_emb = jax.vmap(lambda table, idx: jnp.take(table, idx, axis=0))(cat_tables, cat_features)
    cat_emb = jnp.transpose(cat_emb, (1, 0, 2))  # [B, N_CAT, D]
    # numerical: per-feature linear projection of the scalar feature, stacked along dim=1
    # num_features: [N_NUM, B, 1], num_weights: [N_NUM, 1, D] -> [B, N_NUM, D]
    num_emb = jnp.einsum('fbi,fid->bfd', num_features, num_weights)
    # concat: cat first, then num (matches torch.cat([cat_embeddings, num_embeddings], dim=1))
    x = jnp.concatenate([cat_emb, num_emb], axis=1)  # [B, N_CAT + N_NUM, D]
    return x

if __name__ == "__main__":
    import jax
    _d = setup_inputs()
    print(jax.jit(kernel)(*tuple(_d.values())))

</pallas_src>

<mosaic_0001>
#map = affine_map<(d0, d1) -> (0, 0, 0)>
#map1 = affine_map<(d0, d1) -> (0, 0)>
module attributes {stable_mosaic.version = 14 : i64} {
  func.func @_gather_kernel(%arg0: i32, %arg1: i32, %arg2: memref<26x1001x128xf32, #tpu.memory_space<hbm>>, %arg3: memref<26x4096xi32, #tpu.memory_space<hbm>>, %arg4: memref<36x4096x128xf32, #tpu.memory_space<hbm>>, %arg5: memref<26x128xi32, #tpu.memory_space<vmem>>, %arg6: memref<128x128xf32, #tpu.memory_space<vmem>>, %arg7: memref<128x128xf32, #tpu.memory_space<vmem>>, %arg8: memref<128x128xf32, #tpu.memory_space<vmem>>, %arg9: memref<128x128xf32, #tpu.memory_space<vmem>>, %arg10: memref<128x128xf32, #tpu.memory_space<vmem>>, %arg11: memref<128x128xf32, #tpu.memory_space<vmem>>, %arg12: memref<128x128xf32, #tpu.memory_space<vmem>>, %arg13: memref<!tpu.dma_semaphore, #tpu.memory_space<semaphore_mem>>, %arg14: memref<!tpu.dma_semaphore, #tpu.memory_space<semaphore_mem>>, %arg15: memref<!tpu.dma_semaphore, #tpu.memory_space<semaphore_mem>>, %arg16: memref<!tpu.dma_semaphore, #tpu.memory_space<semaphore_mem>>, %arg17: memref<!tpu.dma_semaphore, #tpu.memory_space<semaphore_mem>>, %arg18: memref<!tpu.dma_semaphore, #tpu.memory_space<semaphore_mem>>, %arg19: memref<!tpu.dma_semaphore, #tpu.memory_space<semaphore_mem>>, %arg20: memref<!tpu.dma_semaphore, #tpu.memory_space<semaphore_mem>>, %arg21: memref<!tpu.dma_semaphore, #tpu.memory_space<semaphore_mem>>, %arg22: memref<!tpu.dma_semaphore, #tpu.memory_space<semaphore_mem>>, %arg23: memref<!tpu.dma_semaphore, #tpu.memory_space<semaphore_mem>>, %arg24: memref<!tpu.dma_semaphore, #tpu.memory_space<semaphore_mem>>, %arg25: memref<!tpu.dma_semaphore, #tpu.memory_space<semaphore_mem>>, %arg26: memref<!tpu.dma_semaphore, #tpu.memory_space<semaphore_mem>>) attributes {dimension_semantics = [#tpu.dimension_semantics<core_parallel>, #tpu.dimension_semantics<subcore_parallel>], iteration_bounds = array<i64: 2, 16>, scalar_prefetch = 0 : i64, scratch_operands = 22 : i64, tpu.core_type = #tpu.core_type<sc_vector_subcore>, window_params = [{transform_indices = #map}, {transform_indices = #map1}, {transform_indices = #map}]} {
    %mul3A = arith.constant 2 : i32
    %mul3A_0 = arith.muli %arg1, %mul3A : i32
    %add3A = arith.addi %mul3A_0, %arg0 : i32
    %mul3A_1 = arith.constant 128 : i32
    %mul3A_2 = arith.muli %add3A, %mul3A_1 : i32
    "tpu.region"() ({
      %run_scoped3A = tpu.sem_alloc : memref<!tpu.dma_semaphore, #tpu.memory_space<semaphore_mem>>
      %dma_start3A_989 = arith.constant 0 : i32
      %dma_start3A_990 = tpu.memref_slice %arg3[%dma_start3A_989, %mul3A_2] : memref<26x4096xi32, #tpu.memory_space<hbm>> -> memref<26x128xi32, #tpu.memory_space<hbm>>
      %dma_start3A_991 = arith.constant 0 : i32
      %dma_start3A_992 = tpu.memref_slice %arg3[%dma_start3A_991, %mul3A_2] : memref<26x4096xi32, #tpu.memory_space<hbm>> -> memref<26x128xi32, #tpu.memory_space<hbm>>
      tpu.enqueue_dma source(%dma_start3A_992 : memref<26x128xi32, #tpu.memory_space<hbm>>) target(%arg5 : memref<26x128xi32, #tpu.memory_space<vmem>>) target_semaphore(%run_scoped3A : memref<!tpu.dma_semaphore, #tpu.memory_space<semaphore_mem>>)
      %dma_wait3A_993 = arith.constant 0 : i32
      %dma_wait3A_994 = tpu.memref_slice %arg3[%dma_wait3A_993, %mul3A_2] : memref<26x4096xi32, #tpu.memory_space<hbm>> -> memref<26x128xi32, #tpu.memory_space<hbm>>
      %dma_wait3A_995 = arith.constant 0 : i32
      %dma_wait3A_996 = tpu.memref_slice %arg3[%dma_wait3A_995, %mul3A_2] : memref<26x4096xi32, #tpu.memory_space<hbm>> -> memref<26x128xi32, #tpu.memory_space<hbm>>
      tpu.wait_dma2 semaphore(%run_scoped3A : memref<!tpu.dma_semaphore, #tpu.memory_space<semaphore_mem>>) src(%dma_wait3A_996 : memref<26x128xi32, #tpu.memory_space<hbm>>) dst(%arg5 : memref<26x128xi32, #tpu.memory_space<vmem>>)
      tpu.yield
    }) : () -> ()
    %dma_start3A = arith.constant 0 : i32
    %dma_start3A_3 = arith.constant 0 : i32
    %dma_start3A_4 = arith.constant 0 : i32
    %dma_start3A_5 = tpu.memref_slice %arg5[%dma_start3A_3, %dma_start3A_4] : memref<26x128xi32, #tpu.memory_space<vmem>> -> memref<1x128xi32, #tpu.memory_space<vmem>>
    %dma_start3A_6 = tpu.memref_squeeze %dma_start3A_5 : memref<1x128xi32, #tpu.memory_space<vmem>> -> memref<128xi32, #tpu.memory_space<vmem>>
    %dma_start3A_7 = arith.constant 0 : i32
    %dma_start3A_8 = arith.constant 0 : i32
    %dma_start3A_9 = tpu.memref_slice %arg2[%dma_start3A, %dma_start3A_7, %dma_start3A_8] : memref<26x1001x128xf32, #tpu.memory_space<hbm>> -> memref<1x1001x128xf32, #tpu.memory_space<hbm>>
    %dma_start3A_10 = tpu.memref_squeeze %dma_start3A_9 : memref<1x1001x128xf32, #tpu.memory_space<hbm>> -> memref<1001x128xf32, #tpu.memory_space<hbm>>
    %dma_start3A_11 = arith.constant 0 : i32
    %dma_start3A_12 = arith.constant 0 : i32
    %dma_start3A_13 = tpu.memref_slice %dma_start3A_10[%dma_start3A_11, %dma_start3A_12] : memref<1001x128xf32, #tpu.memory_space<hbm>> -> memref<1001x128xf32, #tpu.memory_space<hbm>>
    tpu.enqueue_indirect_dma source(%dma_start3A_13 : memref<1001x128xf32, #tpu.memory_space<hbm>>) target(%arg6 : memref<128x128xf32, #tpu.memory_space<vmem>>) offsets(%dma_start3A_6 : memref<128xi32, #tpu.memory_space<vmem>>) semaphore(%arg13 : memref<!tpu.dma_semaphore, #tpu.memory_space<semaphore_mem>>)
    %dma_start3A_14 = arith.constant 1 : i32
    %dma_start3A_15 = arith.constant 1 : i32
    %dma_start3A_16 = arith.constant 0 : i32
    %dma_start3A_17 = tpu.memref_slice %arg5[%dma_start3A_15, %dma_start3A_16] : memref<26x128xi32, #tpu.memory_space<vmem>> -> memref<1x128xi32, #tpu.memory_space<vmem>>
    %dma_start3A_18 = tpu.memref_squeeze %dma_start3A_17 : memref<1x128xi32, #tpu.memory_space<vmem>> -> memref<128xi32, #tpu.memory_space<vmem>>
    %dma_start3A_19 = arith.constant 0 : i32
    %dma_start3A_20 = arith.constant 0 : i32
    %dma_start3A_21 = tpu.memref_slice %arg2[%dma_start3A_14, %dma_start3A_19, %dma_start3A_20] : memref<26x1001x128xf32, #tpu.memory_space<hbm>> -> memref<1x1001x128xf32, #tpu.memory_space<hbm>>
    %dma_start3A_22 = tpu.memref_squeeze %dma_start3A_21 : memref<1x1001x128xf32, #tpu.memory_space<hbm>> -> memref<1001x128xf32, #tpu.memory_space<hbm>>
    %dma_start3A_23 = arith.constant 0 : i32
    %dma_start3A_24 = arith.constant 0 : i32
    %dma_start3A_25 = tpu.memref_slice %dma_start3A_22[%dma_start3A_23, %dma_start3A_24] : memref<1001x128xf32, #tpu.memory_space<hbm>> -> memref<1001x128xf32, #tpu.memory_space<hbm>>
    tpu.enqueue_indirect_dma source(%dma_start3A_25 : memref<1001x128xf32, #tpu.memory_space<hbm>>) target(%arg7 : memref<128x128xf32, #tpu.memory_space<vmem>>) offsets(%dma_start3A_18 : memref<128xi32, #tpu.memory_space<vmem>>) semaphore(%arg14 : memref<!tpu.dma_semaphore, #tpu.memory_space<semaphore_mem>>)
    %dma_start3A_26 = arith.constant 2 : i32
    %dma_start3A_27 = arith.constant 2 : i32
    %dma_start3A_28 = arith.constant 0 : i32
    %dma_start3A_29 = tpu.memref_slice %arg5[%dma_start3A_27, %dma_start3A_28] : memref<26x128xi32, #tpu.memory_space<vmem>> -> memref<1x128xi32, #tpu.memory_space<vmem>>
    %dma_start3A_30 = tpu.memref_squeeze %dma_start3A_29 : memref<1x128xi32, #tpu.memory_space<vmem>> -> memref<128xi32, #tpu.memory_space<vmem>>
    %dma_start3A_31 = arith.constant 0 : i32
    %dma_start3A_32 = arith.constant 0 : i32
    %dma_start3A_33 = tpu.memref_slice %arg2[%dma_start3A_26, %dma_start3A_31, %dma_start3A_32] : memref<26x1001x128xf32, #tpu.memory_space<hbm>> -> memref<1x1001x128xf32, #tpu.memory_space<hbm>>
    %dma_start3A_34 = tpu.memref_squeeze %dma_start3A_33 : memref<1x1001x128xf32, #tpu.memory_space<hbm>> -> memref<1001x128xf32, #tpu.memory_space<hbm>>
    %dma_start3A_35 = arith.constant 0 : i32
    %dma_start3A_36 = arith.constant 0 : i32
    %dma_start3A_37 = tpu.memref_slice %dma_start3A_34[%dma_start3A_35, %dma_start3A_36] : memref<1001x128xf32, #tpu.memory_space<hbm>> -> memref<1001x128xf32, #tpu.memory_space<hbm>>
    tpu.enqueue_indirect_dma source(%dma_start3A_37 : memref<1001x128xf32, #tpu.memory_space<hbm>>) target(%arg8 : memref<128x128xf32, #tpu.memory_space<vmem>>) offsets(%dma_start3A_30 : memref<128xi32, #tpu.memory_space<vmem>>) semaphore(%arg15 : memref<!tpu.dma_semaphore, #tpu.memory_space<semaphore_mem>>)
    %dma_start3A_38 = arith.constant 3 : i32
    %dma_start3A_39 = arith.constant 3 : i32
    %dma_start3A_40 = arith.constant 0 : i32
    %dma_start3A_41 = tpu.memref_slice %arg5[%dma_start3A_39, %dma_start3A_40] : memref<26x128xi32, #tpu.memory_space<vmem>> -> memref<1x128xi32, #tpu.memory_space<vmem>>
    %dma_start3A_42 = tpu.memref_squeeze %dma_start3A_41 : memref<1x128xi32, #tpu.memory_space<vmem>> -> memref<128xi32, #tpu.memory_space<vmem>>
    %dma_start3A_43 = arith.constant 0 : i32
    %dma_start3A_44 = arith.constant 0 : i32
    %dma_start3A_45 = tpu.memref_slice %arg2[%dma_start3A_38, %dma_start3A_43, %dma_start3A_44] : memref<26x1001x128xf32, #tpu.memory_space<hbm>> -> memref<1x1001x128xf32, #tpu.memory_space<hbm>>
    %dma_start3A_46 = tpu.memref_squeeze %dma_start3A_45 : memref<1x1001x128xf32, #tpu.memory_space<hbm>> -> memref<1001x128xf32, #tpu.memory_space<hbm>>
    %dma_start3A_47 = arith.constant 0 : i32
    %dma_start3A_48 = arith.constant 0 : i32
    %dma_start3A_49 = tpu.memref_slice %dma_start3A_46[%dma_start3A_47, %dma_start3A_48] : memref<1001x128xf32, #tpu.memory_space<hbm>> -> memref<1001x128xf32, #tpu.memory_space<hbm>>
    tpu.enqueue_indirect_dma source(%dma_start3A_49 : memref<1001x128xf32, #tpu.memory_space<hbm>>) target(%arg9 : memref<128x128xf32, #tpu.memory_space<vmem>>) offsets(%dma_start3A_42 : memref<128xi32, #tpu.memory_space<vmem>>) semaphore(%arg16 : memref<!tpu.dma_semaphore, #tpu.memory_space<semaphore_mem>>)
    %dma_start3A_50 = arith.constant 4 : i32
    %dma_start3A_51 = arith.constant 4 : i32
    %dma_start3A_52 = arith.constant 0 : i32
    %dma_start3A_53 = tpu.memref_slice %arg5[%dma_start3A_51, %dma_start3A_52] : memref<26x128xi32, #tpu.memory_space<vmem>> -> memref<1x128xi32, #tpu.memory_space<vmem>>
    %dma_start3A_54 = tpu.memref_squeeze %dma_start3A_53 : memref<1x128xi32, #tpu.memory_space<vmem>> -> memref<128xi32, #tpu.memory_space<vmem>>
    %dma_start3A_55 = arith.constant 0 : i32
    %dma_start3A_56 = arith.constant 0 : i32
    %dma_start3A_57 = tpu.memref_slice %arg2[%dma_start3A_50, %dma_start3A_55, %dma_start3A_56] : memref<26x1001x128xf32, #tpu.memory_space<hbm>> -> memref<1x1001x128xf32, #tpu.memory_space<hbm>>
    %dma_start3A_58 = tpu.memref_squeeze %dma_start3A_57 : memref<1x1001x128xf32, #tpu.memory_space<hbm>> -> memref<1001x128xf32, #tpu.memory_space<hbm>>
    %dma_start3A_59 = arith.constant 0 : i32
    %dma_start3A_60 = arith.constant 0 : i32
    %dma_start3A_61 = tpu.memref_slice %dma_start3A_58[%dma_start3A_59, %dma_start3A_60] : memref<1001x128xf32, #tpu.memory_space<hbm>> -> memref<1001x128xf32, #tpu.memory_space<hbm>>
    tpu.enqueue_indirect_dma source(%dma_start3A_61 : memref<1001x128xf32, #tpu.memory_space<hbm>>) target(%arg10 : memref<128x128xf32, #tpu.memory_space<vmem>>) offsets(%dma_start3A_54 : memref<128xi32, #tpu.memory_space<vmem>>) semaphore(%arg17 : memref<!tpu.dma_semaphore, #tpu.memory_space<semaphore_mem>>)
    %dma_start3A_62 = arith.constant 5 : i32
    %dma_start3A_63 = arith.constant 5 : i32
    %dma_start3A_64 = arith.constant 0 : i32
    %dma_start3A_65 = tpu.memref_slice %arg5[%dma_start3A_63, %dma_start3A_64] : memref<26x128xi32, #tpu.memory_space<vmem>> -> memref<1x128xi32, #tpu.memory_space<vmem>>
    %dma_start3A_66 = tpu.memref_squeeze %dma_start3A_65 : memref<1x128xi32, #tpu.memory_space<vmem>> -> memref<128xi32, #tpu.memory_space<vmem>>
    %dma_start3A_67 = arith.constant 0 : i32
    %dma_start3A_68 = arith.constant 0 : i32
    %dma_start3A_69 = tpu.memref_slice %arg2[%dma_start3A_62, %dma_start3A_67, %dma_start3A_68] : memref<26x1001x128xf32, #tpu.memory_space<hbm>> -> memref<1x1001x128xf32, #tpu.memory_space<hbm>>
    %dma_start3A_70 = tpu.memref_squeeze %dma_start3A_69 : memref<1x1001x128xf32, #tpu.memory_space<hbm>> -> memref<1001x128xf32, #tpu.memory_space<hbm>>
    %dma_start3A_71 = arith.constant 0 : i32
    %dma_start3A_72 = arith.constant 0 : i32
    %dma_start3A_73 = tpu.memref_slice %dma_start3A_70[%dma_start3A_71, %dma_start3A_72] : memref<1001x128xf32, #tpu.memory_space<hbm>> -> memref<1001x128xf32, #tpu.memory_space<hbm>>
    tpu.enqueue_indirect_dma source(%dma_start3A_73 : memref<1001x128xf32, #tpu.memory_space<hbm>>) target(%arg11 : memref<128x128xf32, #tpu.memory_space<vmem>>) offsets(%dma_start3A_66 : memref<128xi32, #tpu.memory_space<vmem>>) semaphore(%arg18 : memref<!tpu.dma_semaphore, #tpu.memory_space<semaphore_mem>>)
    %dma_wait3A = arith.constant 0 : i32
    %dma_wait3A_74 = arith.constant 0 : i32
    %dma_wait3A_75 = arith.constant 0 : i32
    %dma_wait3A_76 = tpu.memref_slice %arg5[%dma_wait3A_74, %dma_wait3A_75] : memref<26x128xi32, #tpu.memory_space<vmem>> -> memref<1x128xi32, #tpu.memory_space<vmem>>
    %dma_wait3A_77 = tpu.memref_squeeze %dma_wait3A_76 : memref<1x128xi32, #tpu.memory_space<vmem>> -> memref<128xi32, #tpu.memory_space<vmem>>
    %dma_wait3A_78 = arith.constant 0 : i32
    %dma_wait3A_79 = arith.constant 0 : i32
    %dma_wait3A_80 = tpu.memref_slice %arg2[%dma_wait3A, %dma_wait3A_78, %dma_wait3A_79] : memref<26x1001x128xf32, #tpu.memory_space<hbm>> -> memref<1x1001x128xf32, #tpu.memory_space<hbm>>
    %dma_wait3A_81 = tpu.memref_squeeze %dma_wait3A_80 : memref<1x1001x128xf32, #tpu.memory_space<hbm>> -> memref<1001x128xf32, #tpu.memory_space<hbm>>
    %dma_wait3A_82 = arith.constant 0 : i32
    %dma_wait3A_83 = arith.constant 0 : i32
    %dma_wait3A_84 = tpu.memref_slice %dma_wait3A_81[%dma_wait3A_82, %dma_wait3A_83] : memref<1001x128xf32, #tpu.memory_space<hbm>> -> memref<1001x128xf32, #tpu.memory_space<hbm>>
    tpu.wait_indirect_dma semaphore(%arg13 : memref<!tpu.dma_semaphore, #tpu.memory_space<semaphore_mem>>) src(%dma_wait3A_84 : memref<1001x128xf32, #tpu.memory_space<hbm>>) dst(%arg6 : memref<128x128xf32, #tpu.memory_space<vmem>>)
    %dma_start3A_85 = arith.constant 0 : i32
    %dma_start3A_86 = arith.constant 0 : i32
    %dma_start3A_87 = tpu.memref_slice %arg4[%dma_start3A_85, %mul3A_2, %dma_start3A_86] : memref<36x4096x128xf32, #tpu.memory_space<hbm>> -> memref<1x128x128xf32, #tpu.memory_space<hbm>>
    %dma_start3A_88 = tpu.memref_squeeze %dma_start3A_87 : memref<1x128x128xf32, #tpu.memory_space<hbm>> -> memref<128x128xf32, #tpu.memory_space<hbm>>
    %dma_start3A_89 = arith.constant 0 : i32
    %dma_start3A_90 = tpu.memref_slice %arg4[%dma_start3A_85, %mul3A_2, %dma_start3A_89] : memref<36x4096x128xf32, #tpu.memory_space<hbm>> -> memref<1x128x128xf32, #tpu.memory_space<hbm>>
    %dma_start3A_91 = tpu.memref_squeeze %dma_start3A_90 : memref<1x128x128xf32, #tpu.memory_space<hbm>> -> memref<128x128xf32, #tpu.memory_space<hbm>>
    tpu.enqueue_dma source(%arg6 : memref<128x128xf32, #tpu.memory_space<vmem>>) target(%dma_start3A_91 : memref<128x128xf32, #tpu.memory_space<hbm>>) target_semaphore(%arg20 : memref<!tpu.dma_semaphore, #tpu.memory_space<semaphore_mem>>)
    %dma_start3A_92 = arith.constant 6 : i32
    %dma_start3A_93 = arith.constant 6 : i32
    %dma_start3A_94 = arith.constant 0 : i32
    %dma_start3A_95 = tpu.memref_slice %arg5[%dma_start3A_93, %dma_start3A_94] : memref<26x128xi32, #tpu.memory_space<vmem>> -> memref<1x128xi32, #tpu.memory_space<vmem>>
    %dma_start3A_96 = tpu.memref_squeeze %dma_start3A_95 : memref<1x128xi32, #tpu.memory_space<vmem>> -> memref<128xi32, #tpu.memory_space<vmem>>
    %dma_start3A_97 = arith.constant 0 : i32
    %dma_start3A_98 = arith.constant 0 : i32
    %dma_start3A_99 = tpu.memref_slice %arg2[%dma_start3A_92, %dma_start3A_97, %dma_start3A_98] : memref<26x1001x128xf32, #tpu.memory_space<hbm>> -> memref<1x1001x128xf32, #tpu.memory_space<hbm>>
    %dma_start3A_100 = tpu.memref_squeeze %dma_start3A_99 : memref<1x1001x128xf32, #tpu.memory_space<hbm>> -> memref<1001x128xf32, #tpu.memory_space<hbm>>
    %dma_start3A_101 = arith.constant 0 : i32
    %dma_start3A_102 = arith.constant 0 : i32
    %dma_start3A_103 = tpu.memref_slice %dma_start3A_100[%dma_start3A_101, %dma_start3A_102] : memref<1001x128xf32, #tpu.memory_space<hbm>> -> memref<1001x128xf32, #tpu.memory_space<hbm>>
    tpu.enqueue_indirect_dma source(%dma_start3A_103 : memref<1001x128xf32, #tpu.memory_space<hbm>>) target(%arg12 : memref<128x128xf32, #tpu.memory_space<vmem>>) offsets(%dma_start3A_96 : memref<128xi32, #tpu.memory_space<vmem>>) semaphore(%arg19 : memref<!tpu.dma_semaphore, #tpu.memory_space<semaphore_mem>>)
    %dma_wait3A_104 = arith.constant 1 : i32
    %dma_wait3A_105 = arith.constant 1 : i32
    %dma_wait3A_106 = arith.constant 0 : i32
    %dma_wait3A_107 = tpu.memref_slice %arg5[%dma_wait3A_105, %dma_wait3A_106] : memref<26x128xi32, #tpu.memory_space<vmem>> -> memref<1x128xi32, #tpu.memory_space<vmem>>
    %dma_wait3A_108 = tpu.memref_squeeze %dma_wait3A_107 : memref<1x128xi32, #tpu.memory_space<vmem>> -> memref<128xi32, #tpu.memory_space<vmem>>
    %dma_wait3A_109 = arith.constant 0 : i32
    %dma_wait3A_110 = arith.constant 0 : i32
    %dma_wait3A_111 = tpu.memref_slice %arg2[%dma_wait3A_104, %dma_wait3A_109, %dma_wait3A_110] : memref<26x1001x128xf32, #tpu.memory_space<hbm>> -> memref<1x1001x128xf32, #tpu.memory_space<hbm>>
    %dma_wait3A_112 = tpu.memref_squeeze %dma_wait3A_111 : memref<1x1001x128xf32, #tpu.memory_space<hbm>> -> memref<1001x128xf32, #tpu.memory_space<hbm>>
    %dma_wait3A_113 = arith.constant 0 : i32
    %dma_wait3A_114 = arith.constant 0 : i32
    %dma_wait3A_115 = tpu.memref_slice %dma_wait3A_112[%dma_wait3A_113, %dma_wait3A_114] : memref<1001x128xf32, #tpu.memory_space<hbm>> -> memref<1001x128xf32, #tpu.memory_space<hbm>>
    tpu.wait_indirect_dma semaphore(%arg14 : memref<!tpu.dma_semaphore, #tpu.memory_space<semaphore_mem>>) src(%dma_wait3A_115 : memref<1001x128xf32, #tpu.memory_space<hbm>>) dst(%arg7 : memref<128x128xf32, #tpu.memory_space<vmem>>)
    %dma_start3A_116 = arith.constant 1 : i32
    %dma_start3A_117 = arith.constant 0 : i32
    %dma_start3A_118 = tpu.memref_slice %arg4[%dma_start3A_116, %mul3A_2, %dma_start3A_117] : memref<36x4096x128xf32, #tpu.memory_space<hbm>> -> memref<1x128x128xf32, #tpu.memory_space<hbm>>
    %dma_start3A_119 = tpu.memref_squeeze %dma_start3A_118 : memref<1x128x128xf32, #tpu.memory_space<hbm>> -> memref<128x128xf32, #tpu.memory_space<hbm>>
    %dma_start3A_120 = arith.constant 0 : i32
    %dma_start3A_121 = tpu.memref_slice %arg4[%dma_start3A_116, %mul3A_2, %dma_start3A_120] : memref<36x4096x128xf32, #tpu.memory_space<hbm>> -> memref<1x128x128xf32, #tpu.memory_space<hbm>>
    %dma_start3A_122 = tpu.memref_squeeze %dma_start3A_121 : memref<1x128x128xf32, #tpu.memory_space<hbm>> -> memref<128x128xf32, #tpu.memory_space<hbm>>
    tpu.enqueue_dma source(%arg7 : memref<128x128xf32, #tpu.memory_space<vmem>>) target(%dma_start3A_122 : memref<128x128xf32, #tpu.memory_space<hbm>>) target_semaphore(%arg21 : memref<!tpu.dma_semaphore, #tpu.memory_space<semaphore_mem>>)
    %dma_wait3A_123 = arith.constant 0 : i32
    %dma_wait3A_124 = arith.constant 0 : i32
    %dma_wait3A_125 = tpu.memref_slice %arg4[%dma_wait3A_123, %mul3A_2, %dma_wait3A_124] : memref<36x4096x128xf32, #tpu.memory_space<hbm>> -> memref<1x128x128xf32, #tpu.memory_space<hbm>>
    %dma_wait3A_126 = tpu.memref_squeeze %dma_wait3A_125 : memref<1x128x128xf32, #tpu.memory_space<hbm>> -> memref<128x128xf32, #tpu.memory_space<hbm>>
    %dma_wait3A_127 = arith.constant 0 : i32
    %dma_wait3A_128 = tpu.memref_slice %arg4[%dma_wait3A_123, %mul3A_2, %dma_wait3A_127] : memref<36x4096x128xf32, #tpu.memory_space<hbm>> -> memref<1x128x128xf32, #tpu.memory_space<hbm>>
    %dma_wait3A_129 = tpu.memref_squeeze %dma_wait3A_128 : memref<1x128x128xf32, #tpu.memory_space<hbm>> -> memref<128x128xf32, #tpu.memory_space<hbm>>
    tpu.wait_dma2 semaphore(%arg20 : memref<!tpu.dma_semaphore, #tpu.memory_space<semaphore_mem>>) src(%arg6 : memref<128x128xf32, #tpu.memory_space<vmem>>) dst(%dma_wait3A_129 : memref<128x128xf32, #tpu.memory_space<hbm>>)
    %dma_start3A_130 = arith.constant 7 : i32
    %dma_start3A_131 = arith.constant 7 : i32
    %dma_start3A_132 = arith.constant 0 : i32
    %dma_start3A_133 = tpu.memref_slice %arg5[%dma_start3A_131, %dma_start3A_132] : memref<26x128xi32, #tpu.memory_space<vmem>> -> memref<1x128xi32, #tpu.memory_space<vmem>>
    %dma_start3A_134 = tpu.memref_squeeze %dma_start3A_133 : memref<1x128xi32, #tpu.memory_space<vmem>> -> memref<128xi32, #tpu.memory_space<vmem>>
    %dma_start3A_135 = arith.constant 0 : i32
    %dma_start3A_136 = arith.constant 0 : i32
    %dma_start3A_137 = tpu.memref_slice %arg2[%dma_start3A_130, %dma_start3A_135, %dma_start3A_136] : memref<26x1001x128xf32, #tpu.memory_space<hbm>> -> memref<1x1001x128xf32, #tpu.memory_space<hbm>>
    %dma_start3A_138 = tpu.memref_squeeze %dma_start3A_137 : memref<1x1001x128xf32, #tpu.memory_space<hbm>> -> memref<1001x128xf32, #tpu.memory_space<hbm>>
    %dma_start3A_139 = arith.constant 0 : i32
    %dma_start3A_140 = arith.constant 0 : i32
    %dma_start3A_141 = tpu.memref_slice %dma_start3A_138[%dma_start3A_139, %dma_start3A_140] : memref<1001x128xf32, #tpu.memory_space<hbm>> -> memref<1001x128xf32, #tpu.memory_space<hbm>>
    tpu.enqueue_indirect_dma source(%dma_start3A_141 : memref<1001x128xf32, #tpu.memory_space<hbm>>) target(%arg6 : memref<128x128xf32, #tpu.memory_space<vmem>>) offsets(%dma_start3A_134 : memref<128xi32, #tpu.memory_space<vmem>>) semaphore(%arg13 : memref<!tpu.dma_semaphore, #tpu.memory_space<semaphore_mem>>)
    %dma_wait3A_142 = arith.constant 2 : i32
    %dma_wait3A_143 = arith.constant 2 : i32
    %dma_wait3A_144 = arith.constant 0 : i32
    %dma_wait3A_145 = tpu.memref_slice %arg5[%dma_wait3A_143, %dma_wait3A_144] : memref<26x128xi32, #tpu.memory_space<vmem>> -> memref<1x128xi32, #tpu.memory_space<vmem>>
    %dma_wait3A_146 = tpu.memref_squeeze %dma_wait3A_145 : memref<1x128xi32, #tpu.memory_space<vmem>> -> memref<128xi32, #tpu.memory_space<vmem>>
    %dma_wait3A_147 = arith.constant 0 : i32
    %dma_wait3A_148 = arith.constant 0 : i32
    %dma_wait3A_149 = tpu.memref_slice %arg2[%dma_wait3A_142, %dma_wait3A_147, %dma_wait3A_148] : memref<26x1001x128xf32, #tpu.memory_space<hbm>> -> memref<1x1001x128xf32, #tpu.memory_space<hbm>>
    %dma_wait3A_150 = tpu.memref_squeeze %dma_wait3A_149 : memref<1x1001x128xf32, #tpu.memory_space<hbm>> -> memref<1001x128xf32, #tpu.memory_space<hbm>>
    %dma_wait3A_151 = arith.constant 0 : i32
    %dma_wait3A_152 = arith.constant 0 : i32
    %dma_wait3A_153 = tpu.memref_slice %dma_wait3A_150[%dma_wait3A_151, %dma_wait3A_152] : memref<1001x128xf32, #tpu.memory_space<hbm>> -> memref<1001x128xf32, #tpu.memory_space<hbm>>
    tpu.wait_indirect_dma semaphore(%arg15 : memref<!tpu.dma_semaphore, #tpu.memory_space<semaphore_mem>>) src(%dma_wait3A_153 : memref<1001x128xf32, #tpu.memory_space<hbm>>) dst(%arg8 : memref<128x128xf32, #tpu.memory_space<vmem>>)
    %dma_start3A_154 = arith.constant 2 : i32
    %dma_start3A_155 = arith.constant 0 : i32
    %dma_start3A_156 = tpu.memref_slice %arg4[%dma_start3A_154, %mul3A_2, %dma_start3A_155] : memref<36x4096x128xf32, #tpu.memory_space<hbm>> -> memref<1x128x128xf32, #tpu.memory_space<hbm>>
    %dma_start3A_157 = tpu.memref_squeeze %dma_start3A_156 : memref<1x128x128xf32, #tpu.memory_space<hbm>> -> memref<128x128xf32, #tpu.memory_space<hbm>>
    %dma_start3A_158 = arith.constant 0 : i32
    %dma_start3A_159 = tpu.memref_slice %arg4[%dma_start3A_154, %mul3A_2, %dma_start3A_158] : memref<36x4096x128xf32, #tpu.memory_space<hbm>> -> memref<1x128x128xf32, #tpu.memory_space<hbm>>
    %dma_start3A_160 = tpu.memref_squeeze %dma_start3A_159 : memref<1x128x128xf32, #tpu.memory_space<hbm>> -> memref<128x128xf32, #tpu.memory_space<hbm>>
    tpu.enqueue_dma source(%arg8 : memref<128x128xf32, #tpu.memory_space<vmem>>) target(%dma_start3A_160 : memref<128x128xf32, #tpu.memory_space<hbm>>) target_semaphore(%arg22 : memref<!tpu.dma_semaphore, #tpu.memory_space<semaphore_mem>>)
    %dma_wait3A_161 = arith.constant 1 : i32
    %dma_wait3A_162 = arith.constant 0 : i32
    %dma_wait3A_163 = tpu.memref_slice %arg4[%dma_wait3A_161, %mul3A_2, %dma_wait3A_162] : memref<36x4096x128xf32, #tpu.memory_space<hbm>> -> memref<1x128x128xf32, #tpu.memory_space<hbm>>
    %dma_wait3A_164 = tpu.memref_squeeze %dma_wait3A_163 : memref<1x128x128xf32, #tpu.memory_space<hbm>> -> memref<128x128xf32, #tpu.memory_space<hbm>>
    %dma_wait3A_165 = arith.constant 0 : i32
    %dma_wait3A_166 = tpu.memref_slice %arg4[%dma_wait3A_161, %mul3A_2, %dma_wait3A_165] : memref<36x4096x128xf32, #tpu.memory_space<hbm>> -> memref<1x128x128xf32, #tpu.memory_space<hbm>>
    %dma_wait3A_167 = tpu.memref_squeeze %dma_wait3A_166 : memref<1x128x128xf32, #tpu.memory_space<hbm>> -> memref<128x128xf32, #tpu.memory_space<hbm>>
    tpu.wait_dma2 semaphore(%arg21 : memref<!tpu.dma_semaphore, #tpu.memory_space<semaphore_mem>>) src(%arg7 : memref<128x128xf32, #tpu.memory_space<vmem>>) dst(%dma_wait3A_167 : memref<128x128xf32, #tpu.memory_space<hbm>>)
    %dma_start3A_168 = arith.constant 8 : i32
    %dma_start3A_169 = arith.constant 8 : i32
    %dma_start3A_170 = arith.constant 0 : i32
    %dma_start3A_171 = tpu.memref_slice %arg5[%dma_start3A_169, %dma_start3A_170] : memref<26x128xi32, #tpu.memory_space<vmem>> -> memref<1x128xi32, #tpu.memory_space<vmem>>
    %dma_start3A_172 = tpu.memref_squeeze %dma_start3A_171 : memref<1x128xi32, #tpu.memory_space<vmem>> -> memref<128xi32, #tpu.memory_space<vmem>>
    %dma_start3A_173 = arith.constant 0 : i32
    %dma_start3A_174 = arith.constant 0 : i32
    %dma_start3A_175 = tpu.memref_slice %arg2[%dma_start3A_168, %dma_start3A_173, %dma_start3A_174] : memref<26x1001x128xf32, #tpu.memory_space<hbm>> -> memref<1x1001x128xf32, #tpu.memory_space<hbm>>
    %dma_start3A_176 = tpu.memref_squeeze %dma_start3A_175 : memref<1x1001x128xf32, #tpu.memory_space<hbm>> -> memref<1001x128xf32, #tpu.memory_space<hbm>>
    %dma_start3A_177 = arith.constant 0 : i32
    %dma_start3A_178 = arith.constant 0 : i32
    %dma_start3A_179 = tpu.memref_slice %dma_start3A_176[%dma_start3A_177, %dma_start3A_178] : memref<1001x128xf32, #tpu.memory_space<hbm>> -> memref<1001x128xf32, #tpu.memory_space<hbm>>
    tpu.enqueue_indirect_dma source(%dma_start3A_179 : memref<1001x128xf32, #tpu.memory_space<hbm>>) target(%arg7 : memref<128x128xf32, #tpu.memory_space<vmem>>) offsets(%dma_start3A_172 : memref<128xi32, #tpu.memory_space<vmem>>) semaphore(%arg14 : memref<!tpu.dma_semaphore, #tpu.memory_space<semaphore_mem>>)
    %dma_wait3A_180 = arith.constant 3 : i32
    %dma_wait3A_181 = arith.constant 3 : i32
    %dma_wait3A_182 = arith.constant 0 : i32
    %dma_wait3A_183 = tpu.memref_slice %arg5[%dma_wait3A_181, %dma_wait3A_182] : memref<26x128xi32, #tpu.memory_space<vmem>> -> memref<1x128xi32, #tpu.memory_space<vmem>>
    %dma_wait3A_184 = tpu.memref_squeeze %dma_wait3A_183 : memref<1x128xi32, #tpu.memory_space<vmem>> -> memref<128xi32, #tpu.memory_space<vmem>>
    %dma_wait3A_185 = arith.constant 0 : i32
    %dma_wait3A_186 = arith.constant 0 : i32
    %dma_wait3A_187 = tpu.memref_slice %arg2[%dma_wait3A_180, %dma_wait3A_185, %dma_wait3A_186] : memref<26x1001x128xf32, #tpu.memory_space<hbm>> -> memref<1x1001x128xf32, #tpu.memory_space<hbm>>
    %dma_wait3A_188 = tpu.memref_squeeze %dma_wait3A_187 : memref<1x1001x128xf32, #tpu.memory_space<hbm>> -> memref<1001x128xf32, #tpu.memory_space<hbm>>
    %dma_wait3A_189 = arith.constant 0 : i32
    %dma_wait3A_190 = arith.constant 0 : i32
    %dma_wait3A_191 = tpu.memref_slice %dma_wait3A_188[%dma_wait3A_189, %dma_wait3A_190] : memref<1001x128xf32, #tpu.memory_space<hbm>> -> memref<1001x128xf32, #tpu.memory_space<hbm>>
    tpu.wait_indirect_dma semaphore(%arg16 : memref<!tpu.dma_semaphore, #tpu.memory_space<semaphore_mem>>) src(%dma_wait3A_191 : memref<1001x128xf32, #tpu.memory_space<hbm>>) dst(%arg9 : memref<128x128xf32, #tpu.memory_space<vmem>>)
    %dma_start3A_192 = arith.constant 3 : i32
    %dma_start3A_193 = arith.constant 0 : i32
    %dma_start3A_194 = tpu.memref_slice %arg4[%dma_start3A_192, %mul3A_2, %dma_start3A_193] : memref<36x4096x128xf32, #tpu.memory_space<hbm>> -> memref<1x128x128xf32, #tpu.memory_space<hbm>>
    %dma_start3A_195 = tpu.memref_squeeze %dma_start3A_194 : memref<1x128x128xf32, #tpu.memory_space<hbm>> -> memref<128x128xf32, #tpu.memory_space<hbm>>
    %dma_start3A_196 = arith.constant 0 : i32
    %dma_start3A_197 = tpu.memref_slice %arg4[%dma_start3A_192, %mul3A_2, %dma_start3A_196] : memref<36x4096x128xf32, #tpu.memory_space<hbm>> -> memref<1x128x128xf32, #tpu.memory_space<hbm>>
    %dma_start3A_198 = tpu.memref_squeeze %dma_start3A_197 : memref<1x128x128xf32, #tpu.memory_space<hbm>> -> memref<128x128xf32, #tpu.memory_space<hbm>>
    tpu.enqueue_dma source(%arg9 : memref<128x128xf32, #tpu.memory_space<vmem>>) target(%dma_start3A_198 : memref<128x128xf32, #tpu.memory_space<hbm>>) target_semaphore(%arg23 : memref<!tpu.dma_semaphore, #tpu.memory_space<semaphore_mem>>)
    %dma_wait3A_199 = arith.constant 2 : i32
    %dma_wait3A_200 = arith.constant 0 : i32
    %dma_wait3A_201 = tpu.memref_slice %arg4[%dma_wait3A_199, %mul3A_2, %dma_wait3A_200] : memref<36x4096x128xf32, #tpu.memory_space<hbm>> -> memref<1x128x128xf32, #tpu.memory_space<hbm>>
    %dma_wait3A_202 = tpu.memref_squeeze %dma_wait3A_201 : memref<1x128x128xf32, #tpu.memory_space<hbm>> -> memref<128x128xf32, #tpu.memory_space<hbm>>
    %dma_wait3A_203 = arith.constant 0 : i32
    %dma_wait3A_204 = tpu.memref_slice %arg4[%dma_wait3A_199, %mul3A_2, %dma_wait3A_203] : memref<36x4096x128xf32, #tpu.memory_space<hbm>> -> memref<1x128x128xf32, #tpu.memory_space<hbm>>
    %dma_wait3A_205 = tpu.memref_squeeze %dma_wait3A_204 : memref<1x128x128xf32, #tpu.memory_space<hbm>> -> memref<128x128xf32, #tpu.memory_space<hbm>>
    tpu.wait_dma2 semaphore(%arg22 : memref<!tpu.dma_semaphore, #tpu.memory_space<semaphore_mem>>) src(%arg8 : memref<128x128xf32, #tpu.memory_space<vmem>>) dst(%dma_wait3A_205 : memref<128x128xf32, #tpu.memory_space<hbm>>)
    %dma_start3A_206 = arith.constant 9 : i32
    %dma_start3A_207 = arith.constant 9 : i32
    %dma_start3A_208 = arith.constant 0 : i32
    %dma_start3A_209 = tpu.memref_slice %arg5[%dma_start3A_207, %dma_start3A_208] : memref<26x128xi32, #tpu.memory_space<vmem>> -> memref<1x128xi32, #tpu.memory_space<vmem>>
    %dma_start3A_210 = tpu.memref_squeeze %dma_start3A_209 : memref<1x128xi32, #tpu.memory_space<vmem>> -> memref<128xi32, #tpu.memory_space<vmem>>
    %dma_start3A_211 = arith.constant 0 : i32
    %dma_start3A_212 = arith.constant 0 : i32
    %dma_start3A_213 = tpu.memref_slice %arg2[%dma_start3A_206, %dma_start3A_211, %dma_start3A_212] : memref<26x1001x128xf32, #tpu.memory_space<hbm>> -> memref<1x1001x128xf32, #tpu.memory_space<hbm>>
    %dma_start3A_214 = tpu.memref_squeeze %dma_start3A_213 : memref<1x1001x128xf32, #tpu.memory_space<hbm>> -> memref<1001x128xf32, #tpu.memory_space<hbm>>
    %dma_start3A_215 = arith.constant 0 : i32
    %dma_start3A_216 = arith.constant 0 : i32
    %dma_start3A_217 = tpu.memref_slice %dma_start3A_214[%dma_start3A_215, %dma_start3A_216] : memref<1001x128xf32, #tpu.memory_space<hbm>> -> memref<1001x128xf32, #tpu.memory_space<hbm>>
    tpu.enqueue_indirect_dma source(%dma_start3A_217 : memref<1001x128xf32, #tpu.memory_space<hbm>>) target(%arg8 : memref<128x128xf32, #tpu.memory_space<vmem>>) offsets(%dma_start3A_210 : memref<128xi32, #tpu.memory_space<vmem>>) semaphore(%arg15 : memref<!tpu.dma_semaphore, #tpu.memory_space<semaphore_mem>>)
    %dma_wait3A_218 = arith.constant 4 : i32
    %dma_wait3A_219 = arith.constant 4 : i32
    %dma_wait3A_220 = arith.constant 0 : i32
    %dma_wait3A_221 = tpu.memref_slice %arg5[%dma_wait3A_219, %dma_wait3A_220] : memref<26x128xi32, #tpu.memory_space<vmem>> -> memref<1x128xi32, #tpu.memory_space<vmem>>
    %dma_wait3A_222 = tpu.memref_squeeze %dma_wait3A_221 : memref<1x128xi32, #tpu.memory_space<vmem>> -> memref<128xi32, #tpu.memory_space<vmem>>
    %dma_wait3A_223 = arith.constant 0 : i32
    %dma_wait3A_224 = arith.constant 0 : i32
    %dma_wait3A_225 = tpu.memref_slice %arg2[%dma_wait3A_218, %dma_wait3A_223, %dma_wait3A_224] : memref<26x1001x128xf32, #tpu.memory_space<hbm>> -> memref<1x1001x128xf32, #tpu.memory_space<hbm>>
    %dma_wait3A_226 = tpu.memref_squeeze %dma_wait3A_225 : memref<1x1001x128xf32, #tpu.memory_space<hbm>> -> memref<1001x128xf32, #tpu.memory_space<hbm>>
    %dma_wait3A_227 = arith.constant 0 : i32
    %dma_wait3A_228 = arith.constant 0 : i32
    %dma_wait3A_229 = tpu.memref_slice %dma_wait3A_226[%dma_wait3A_227, %dma_wait3A_228] : memref<1001x128xf32, #tpu.memory_space<hbm>> -> memref<1001x128xf32, #tpu.memory_space<hbm>>
    tpu.wait_indirect_dma semaphore(%arg17 : memref<!tpu.dma_semaphore, #tpu.memory_space<semaphore_mem>>) src(%dma_wait3A_229 : memref<1001x128xf32, #tpu.memory_space<hbm>>) dst(%arg10 : memref<128x128xf32, #tpu.memory_space<vmem>>)
    %dma_start3A_230 = arith.constant 4 : i32
    %dma_start3A_231 = arith.constant 0 : i32
    %dma_start3A_232 = tpu.memref_slice %arg4[%dma_start3A_230, %mul3A_2, %dma_start3A_231] : memref<36x4096x128xf32, #tpu.memory_space<hbm>> -> memref<1x128x128xf32, #tpu.memory_space<hbm>>
    %dma_start3A_233 = tpu.memref_squeeze %dma_start3A_232 : memref<1x128x128xf32, #tpu.memory_space<hbm>> -> memref<128x128xf32, #tpu.memory_space<hbm>>
    %dma_start3A_234 = arith.constant 0 : i32
    %dma_start3A_235 = tpu.memref_slice %arg4[%dma_start3A_230, %mul3A_2, %dma_start3A_234] : memref<36x4096x128xf32, #tpu.memory_space<hbm>> -> memref<1x128x128xf32, #tpu.memory_space<hbm>>
    %dma_start3A_236 = tpu.memref_squeeze %dma_start3A_235 : memref<1x128x128xf32, #tpu.memory_space<hbm>> -> memref<128x128xf32, #tpu.memory_space<hbm>>
    tpu.enqueue_dma source(%arg10 : memref<128x128xf32, #tpu.memory_space<vmem>>) target(%dma_start3A_236 : memref<128x128xf32, #tpu.memory_space<hbm>>) target_semaphore(%arg24 : memref<!tpu.dma_semaphore, #tpu.memory_space<semaphore_mem>>)
    %dma_wait3A_237 = arith.constant 3 : i32
    %dma_wait3A_238 = arith.constant 0 : i32
    %dma_wait3A_239 = tpu.memref_slice %arg4[%dma_wait3A_237, %mul3A_2, %dma_wait3A_238] : memref<36x4096x128xf32, #tpu.memory_space<hbm>> -> memref<1x128x128xf32, #tpu.memory_space<hbm>>
    %dma_wait3A_240 = tpu.memref_squeeze %dma_wait3A_239 : memref<1x128x128xf32, #tpu.memory_space<hbm>> -> memref<128x128xf32, #tpu.memory_space<hbm>>
    %dma_wait3A_241 = arith.constant 0 : i32
    %dma_wait3A_242 = tpu.memref_slice %arg4[%dma_wait3A_237, %mul3A_2, %dma_wait3A_241] : memref<36x4096x128xf32, #tpu.memory_space<hbm>> -> memref<1x128x128xf32, #tpu.memory_space<hbm>>
    %dma_wait3A_243 = tpu.memref_squeeze %dma_wait3A_242 : memref<1x128x128xf32, #tpu.memory_space<hbm>> -> memref<128x128xf32, #tpu.memory_space<hbm>>
    tpu.wait_dma2 semaphore(%arg23 : memref<!tpu.dma_semaphore, #tpu.memory_space<semaphore_mem>>) src(%arg9 : memref<128x128xf32, #tpu.memory_space<vmem>>) dst(%dma_wait3A_243 : memref<128x128xf32, #tpu.memory_space<hbm>>)
    %dma_start3A_244 = arith.constant 10 : i32
    %dma_start3A_245 = arith.constant 10 : i32
    %dma_start3A_246 = arith.constant 0 : i32
    %dma_start3A_247 = tpu.memref_slice %arg5[%dma_start3A_245, %dma_start3A_246] : memref<26x128xi32, #tpu.memory_space<vmem>> -> memref<1x128xi32, #tpu.memory_space<vmem>>
    %dma_start3A_248 = tpu.memref_squeeze %dma_start3A_247 : memref<1x128xi32, #tpu.memory_space<vmem>> -> memref<128xi32, #tpu.memory_space<vmem>>
    %dma_start3A_249 = arith.constant 0 : i32
    %dma_start3A_250 = arith.constant 0 : i32
    %dma_start3A_251 = tpu.memref_slice %arg2[%dma_start3A_244, %dma_start3A_249, %dma_start3A_250] : memref<26x1001x128xf32, #tpu.memory_space<hbm>> -> memref<1x1001x128xf32, #tpu.memory_space<hbm>>
    %dma_start3A_252 = tpu.memref_squeeze %dma_start3A_251 : memref<1x1001x128xf32, #tpu.memory_space<hbm>> -> memref<1001x128xf32, #tpu.memory_space<hbm>>
    %dma_start3A_253 = arith.constant 0 : i32
    %dma_start3A_254 = arith.constant 0 : i32
    %dma_start3A_255 = tpu.memref_slice %dma_start3A_252[%dma_start3A_253, %dma_start3A_254] : memref<1001x128xf32, #tpu.memory_space<hbm>> -> memref<1001x128xf32, #tpu.memory_space<hbm>>
    tpu.enqueue_indirect_dma source(%dma_start3A_255 : memref<1001x128xf32, #tpu.memory_space<hbm>>) target(%arg9 : memref<128x128xf32, #tpu.memory_space<vmem>>) offsets(%dma_start3A_248 : memref<128xi32, #tpu.memory_space<vmem>>) semaphore(%arg16 : memref<!tpu.dma_semaphore, #tpu.memory_space<semaphore_mem>>)
    %dma_wait3A_256 = arith.constant 5 : i32
    %dma_wait3A_257 = arith.constant 5 : i32
    %dma_wait3A_258 = arith.constant 0 : i32
    %dma_wait3A_259 = tpu.memref_slice %arg5[%dma_wait3A_257, %dma_wait3A_258] : memref<26x128xi32, #tpu.memory_space<vmem>> -> memref<1x128xi32, #tpu.memory_space<vmem>>
    %dma_wait3A_260 = tpu.memref_squeeze %dma_wait3A_259 : memref<1x128xi32, #tpu.memory_space<vmem>> -> memref<128xi32, #tpu.memory_space<vmem>>
    %dma_wait3A_261 = arith.constant 0 : i32
    %dma_wait3A_262 = arith.constant 0 : i32
    %dma_wait3A_263 = tpu.memref_slice %arg2[%dma_wait3A_256, %dma_wait3A_261, %dma_wait3A_262] : memref<26x1001x128xf32, #tpu.memory_space<hbm>> -> memref<1x1001x128xf32, #tpu.memory_space<hbm>>
    %dma_wait3A_264 = tpu.memref_squeeze %dma_wait3A_263 : memref<1x1001x128xf32, #tpu.memory_space<hbm>> -> memref<1001x128xf32, #tpu.memory_space<hbm>>
    %dma_wait3A_265 = arith.constant 0 : i32
    %dma_wait3A_266 = arith.constant 0 : i32
    %dma_wait3A_267 = tpu.memref_slice %dma_wait3A_264[%dma_wait3A_265, %dma_wait3A_266] : memref<1001x128xf32, #tpu.memory_space<hbm>> -> memref<1001x128xf32, #tpu.memory_space<hbm>>
    tpu.wait_indirect_dma semaphore(%arg18 : memref<!tpu.dma_semaphore, #tpu.memory_space<semaphore_mem>>) src(%dma_wait3A_267 : memref<1001x128xf32, #tpu.memory_space<hbm>>) dst(%arg11 : memref<128x128xf32, #tpu.memory_space<vmem>>)
    %dma_start3A_268 = arith.constant 5 : i32
    %dma_start3A_269 = arith.constant 0 : i32
    %dma_start3A_270 = tpu.memref_slice %arg4[%dma_start3A_268, %mul3A_2, %dma_start3A_269] : memref<36x4096x128xf32, #tpu.memory_space<hbm>> -> memref<1x128x128xf32, #tpu.memory_space<hbm>>
    %dma_start3A_271 = tpu.memref_squeeze %dma_start3A_270 : memref<1x128x128xf32, #tpu.memory_space<hbm>> -> memref<128x128xf32, #tpu.memory_space<hbm>>
    %dma_start3A_272 = arith.constant 0 : i32
    %dma_start3A_273 = tpu.memref_slice %arg4[%dma_start3A_268, %mul3A_2, %dma_start3A_272] : memref<36x4096x128xf32, #tpu.memory_space<hbm>> -> memref<1x128x128xf32, #tpu.memory_space<hbm>>
    %dma_start3A_274 = tpu.memref_squeeze %dma_start3A_273 : memref<1x128x128xf32, #tpu.memory_space<hbm>> -> memref<128x128xf32, #tpu.memory_space<hbm>>
    tpu.enqueue_dma source(%arg11 : memref<128x128xf32, #tpu.memory_space<vmem>>) target(%dma_start3A_274 : memref<128x128xf32, #tpu.memory_space<hbm>>) target_semaphore(%arg25 : memref<!tpu.dma_semaphore, #tpu.memory_space<semaphore_mem>>)
    %dma_wait3A_275 = arith.constant 4 : i32
    %dma_wait3A_276 = arith.constant 0 : i32
    %dma_wait3A_277 = tpu.memref_slice %arg4[%dma_wait3A_275, %mul3A_2, %dma_wait3A_276] : memref<36x4096x128xf32, #tpu.memory_space<hbm>> -> memref<1x128x128xf32, #tpu.memory_space<hbm>>
    %dma_wait3A_278 = tpu.memref_squeeze %dma_wait3A_277 : memref<1x128x128xf32, #tpu.memory_space<hbm>> -> memref<128x128xf32, #tpu.memory_space<hbm>>
    %dma_wait3A_279 = arith.constant 0 : i32
    %dma_wait3A_280 = tpu.memref_slice %arg4[%dma_wait3A_275, %mul3A_2, %dma_wait3A_279] : memref<36x4096x128xf32, #tpu.memory_space<hbm>> -> memref<1x128x128xf32, #tpu.memory_space<hbm>>
    %dma_wait3A_281 = tpu.memref_squeeze %dma_wait3A_280 : memref<1x128x128xf32, #tpu.memory_space<hbm>> -> memref<128x128xf32, #tpu.memory_space<hbm>>
    tpu.wait_dma2 semaphore(%arg24 : memref<!tpu.dma_semaphore, #tpu.memory_space<semaphore_mem>>) src(%arg10 : memref<128x128xf32, #tpu.memory_space<vmem>>) dst(%dma_wait3A_281 : memref<128x128xf32, #tpu.memory_space<hbm>>)
    %dma_start3A_282 = arith.constant 11 : i32
    %dma_start3A_283 = arith.constant 11 : i32
    %dma_start3A_284 = arith.constant 0 : i32
    %dma_start3A_285 = tpu.memref_slice %arg5[%dma_start3A_283, %dma_start3A_284] : memref<26x128xi32, #tpu.memory_space<vmem>> -> memref<1x128xi32, #tpu.memory_space<vmem>>
    %dma_start3A_286 = tpu.memref_squeeze %dma_start3A_285 : memref<1x128xi32, #tpu.memory_space<vmem>> -> memref<128xi32, #tpu.memory_space<vmem>>
    %dma_start3A_287 = arith.constant 0 : i32
    %dma_start3A_288 = arith.constant 0 : i32
    %dma_start3A_289 = tpu.memref_slice %arg2[%dma_start3A_282, %dma_start3A_287, %dma_start3A_288] : memref<26x1001x128xf32, #tpu.memory_space<hbm>> -> memref<1x1001x128xf32, #tpu.memory_space<hbm>>
    %dma_start3A_290 = tpu.memref_squeeze %dma_start3A_289 : memref<1x1001x128xf32, #tpu.memory_space<hbm>> -> memref<1001x128xf32, #tpu.memory_space<hbm>>
    %dma_start3A_291 = arith.constant 0 : i32
    %dma_start3A_292 = arith.constant 0 : i32
    %dma_start3A_293 = tpu.memref_slice %dma_start3A_290[%dma_start3A_291, %dma_start3A_292] : memref<1001x128xf32, #tpu.memory_space<hbm>> -> memref<1001x128xf32, #tpu.memory_space<hbm>>
    tpu.enqueue_indirect_dma source(%dma_start3A_293 : memref<1001x128xf32, #tpu.memory_space<hbm>>) target(%arg10 : memref<128x128xf32, #tpu.memory_space<vmem>>) offsets(%dma_start3A_286 : memref<128xi32, #tpu.memory_space<vmem>>) semaphore(%arg17 : memref<!tpu.dma_semaphore, #tpu.memory_space<semaphore_mem>>)
    %dma_wait3A_294 = arith.constant 6 : i32
    %dma_wait3A_295 = arith.constant 6 : i32
    %dma_wait3A_296 = arith.constant 0 : i32
    %dma_wait3A_297 = tpu.memref_slice %arg5[%dma_wait3A_295, %dma_wait3A_296] : memref<26x128xi32, #tpu.memory_space<vmem>> -> memref<1x128xi32, #tpu.memory_space<vmem>>
    %dma_wait3A_298 = tpu.memref_squeeze %dma_wait3A_297 : memref<1x128xi32, #tpu.memory_space<vmem>> -> memref<128xi32, #tpu.memory_space<vmem>>
    %dma_wait3A_299 = arith.constant 0 : i32
    %dma_wait3A_300 = arith.constant 0 : i32
    %dma_wait3A_301 = tpu.memref_slice %arg2[%dma_wait3A_294, %dma_wait3A_299, %dma_wait3A_300] : memref<26x1001x128xf32, #tpu.memory_space<hbm>> -> memref<1x1001x128xf32, #tpu.memory_space<hbm>>
    %dma_wait3A_302 = tpu.memref_squeeze %dma_wait3A_301 : memref<1x1001x128xf32, #tpu.memory_space<hbm>> -> memref<1001x128xf32, #tpu.memory_space<hbm>>
    %dma_wait3A_303 = arith.constant 0 : i32
    %dma_wait3A_304 = arith.constant 0 : i32
    %dma_wait3A_305 = tpu.memref_slice %dma_wait3A_302[%dma_wait3A_303, %dma_wait3A_304] : memref<1001x128xf32, #tpu.memory_space<hbm>> -> memref<1001x128xf32, #tpu.memory_space<hbm>>
    tpu.wait_indirect_dma semaphore(%arg19 : memref<!tpu.dma_semaphore, #tpu.memory_space<semaphore_mem>>) src(%dma_wait3A_305 : memref<1001x128xf32, #tpu.memory_space<hbm>>) dst(%arg12 : memref<128x128xf32, #tpu.memory_space<vmem>>)
    %dma_start3A_306 = arith.constant 6 : i32
    %dma_start3A_307 = arith.constant 0 : i32
    %dma_start3A_308 = tpu.memref_slice %arg4[%dma_start3A_306, %mul3A_2, %dma_start3A_307] : memref<36x4096x128xf32, #tpu.memory_space<hbm>> -> memref<1x128x128xf32, #tpu.memory_space<hbm>>
    %dma_start3A_309 = tpu.memref_squeeze %dma_start3A_308 : memref<1x128x128xf32, #tpu.memory_space<hbm>> -> memref<128x128xf32, #tpu.memory_space<hbm>>
    %dma_start3A_310 = arith.constant 0 : i32
    %dma_start3A_311 = tpu.memref_slice %arg4[%dma_start3A_306, %mul3A_2, %dma_start3A_310] : memref<36x4096x128xf32, #tpu.memory_space<hbm>> -> memref<1x128x128xf32, #tpu.memory_space<hbm>>
    %dma_start3A_312 = tpu.memref_squeeze %dma_start3A_311 : memref<1x128x128xf32, #tpu.memory_space<hbm>> -> memref<128x128xf32, #tpu.memory_space<hbm>>
    tpu.enqueue_dma source(%arg12 : memref<128x128xf32, #tpu.memory_space<vmem>>) target(%dma_start3A_312 : memref<128x128xf32, #tpu.memory_space<hbm>>) target_semaphore(%arg26 : memref<!tpu.dma_semaphore, #tpu.memory_space<semaphore_mem>>)
    %dma_wait3A_313 = arith.constant 5 : i32
    %dma_wait3A_314 = arith.constant 0 : i32
    %dma_wait3A_315 = tpu.memref_slice %arg4[%dma_wait3A_313, %mul3A_2, %dma_wait3A_314] : memref<36x4096x128xf32, #tpu.memory_space<hbm>> -> memref<1x128x128xf32, #tpu.memory_space<hbm>>
    %dma_wait3A_316 = tpu.memref_squeeze %dma_wait3A_315 : memref<1x128x128xf32, #tpu.memory_space<hbm>> -> memref<128x128xf32, #tpu.memory_space<hbm>>
    %dma_wait3A_317 = arith.constant 0 : i32
    %dma_wait3A_318 = tpu.memref_slice %arg4[%dma_wait3A_313, %mul3A_2, %dma_wait3A_317] : memref<36x4096x128xf32, #tpu.memory_space<hbm>> -> memref<1x128x128xf32, #tpu.memory_space<hbm>>
    %dma_wait3A_319 = tpu.memref_squeeze %dma_wait3A_318 : memref<1x128x128xf32, #tpu.memory_space<hbm>> -> memref<128x128xf32, #tpu.memory_space<hbm>>
    tpu.wait_dma2 semaphore(%arg25 : memref<!tpu.dma_semaphore, #tpu.memory_space<semaphore_mem>>) src(%arg11 : memref<128x128xf32, #tpu.memory_space<vmem>>) dst(%dma_wait3A_319 : memref<128x128xf32, #tpu.memory_space<hbm>>)
    %dma_start3A_320 = arith.constant 12 : i32
    %dma_start3A_321 = arith.constant 12 : i32
    %dma_start3A_322 = arith.constant 0 : i32
    %dma_start3A_323 = tpu.memref_slice %arg5[%dma_start3A_321, %dma_start3A_322] : memref<26x128xi32, #tpu.memory_space<vmem>> -> memref<1x128xi32, #tpu.memory_space<vmem>>
    %dma_start3A_324 = tpu.memref_squeeze %dma_start3A_323 : memref<1x128xi32, #tpu.memory_space<vmem>> -> memref<128xi32, #tpu.memory_space<vmem>>
    %dma_start3A_325 = arith.constant 0 : i32
    %dma_start3A_326 = arith.constant 0 : i32
    %dma_start3A_327 = tpu.memref_slice %arg2[%dma_start3A_320, %dma_start3A_325, %dma_start3A_326] : memref<26x1001x128xf32, #tpu.memory_space<hbm>> -> memref<1x1001x128xf32, #tpu.memory_space<hbm>>
    %dma_start3A_328 = tpu.memref_squeeze %dma_start3A_327 : memref<1x1001x128xf32, #tpu.memory_space<hbm>> -> memref<1001x128xf32, #tpu.memory_space<hbm>>
    %dma_start3A_329 = arith.constant 0 : i32
    %dma_start3A_330 = arith.constant 0 : i32
    %dma_start3A_331 = tpu.memref_slice %dma_start3A_328[%dma_start3A_329, %dma_start3A_330] : memref<1001x128xf32, #tpu.memory_space<hbm>> -> memref<1001x128xf32, #tpu.memory_space<hbm>>
    tpu.enqueue_indirect_dma source(%dma_start3A_331 : memref<1001x128xf32, #tpu.memory_space<hbm>>) target(%arg11 : memref<128x128xf32, #tpu.memory_space<vmem>>) offsets(%dma_start3A_324 : memref<128xi32, #tpu.memory_space<vmem>>) semaphore(%arg18 : memref<!tpu.dma_semaphore, #tpu.memory_space<semaphore_mem>>)
    %dma_wait3A_332 = arith.constant 7 : i32
    %dma_wait3A_333 = arith.constant 7 : i32
    %dma_wait3A_334 = arith.constant 0 : i32
    %dma_wait3A_335 = tpu.memref_slice %arg5[%dma_wait3A_333, %dma_wait3A_334] : memref<26x128xi32, #tpu.memory_space<vmem>> -> memref<1x128xi32, #tpu.memory_space<vmem>>
    %dma_wait3A_336 = tpu.memref_squeeze %dma_wait3A_335 : memref<1x128xi32, #tpu.memory_space<vmem>> -> memref<128xi32, #tpu.memory_space<vmem>>
    %dma_wait3A_337 = arith.constant 0 : i32
    %dma_wait3A_338 = arith.constant 0 : i32
    %dma_wait3A_339 = tpu.memref_slice %arg2[%dma_wait3A_332, %dma_wait3A_337, %dma_wait3A_338] : memref<26x1001x128xf32, #tpu.memory_space<hbm>> -> memref<1x1001x128xf32, #tpu.memory_space<hbm>>
    %dma_wait3A_340 = tpu.memref_squeeze %dma_wait3A_339 : memref<1x1001x128xf32, #tpu.memory_space<hbm>> -> memref<1001x128xf32, #tpu.memory_space<hbm>>
    %dma_wait3A_341 = arith.constant 0 : i32
    %dma_wait3A_342 = arith.constant 0 : i32
    %dma_wait3A_343 = tpu.memref_slice %dma_wait3A_340[%dma_wait3A_341, %dma_wait3A_342] : memref<1001x128xf32, #tpu.memory_space<hbm>> -> memref<1001x128xf32, #tpu.memory_space<hbm>>
    tpu.wait_indirect_dma semaphore(%arg13 : memref<!tpu.dma_semaphore, #tpu.memory_space<semaphore_mem>>) src(%dma_wait3A_343 : memref<1001x128xf32, #tpu.memory_space<hbm>>) dst(%arg6 : memref<128x128xf32, #tpu.memory_space<vmem>>)
    %dma_start3A_344 = arith.constant 7 : i32
    %dma_start3A_345 = arith.constant 0 : i32
    %dma_start3A_346 = tpu.memref_slice %arg4[%dma_start3A_344, %mul3A_2, %dma_start3A_345] : memref<36x4096x128xf32, #tpu.memory_space<hbm>> -> memref<1x128x128xf32, #tpu.memory_space<hbm>>
    %dma_start3A_347 = tpu.memref_squeeze %dma_start3A_346 : memref<1x128x128xf32, #tpu.memory_space<hbm>> -> memref<128x128xf32, #tpu.memory_space<hbm>>
    %dma_start3A_348 = arith.constant 0 : i32
    %dma_start3A_349 = tpu.memref_slice %arg4[%dma_start3A_344, %mul3A_2, %dma_start3A_348] : memref<36x4096x128xf32, #tpu.memory_space<hbm>> -> memref<1x128x128xf32, #tpu.memory_space<hbm>>
    %dma_start3A_350 = tpu.memref_squeeze %dma_start3A_349 : memref<1x128x128xf32, #tpu.memory_space<hbm>> -> memref<128x128xf32, #tpu.memory_space<hbm>>
    tpu.enqueue_dma source(%arg6 : memref<128x128xf32, #tpu.memory_space<vmem>>) target(%dma_start3A_350 : memref<128x128xf32, #tpu.memory_space<hbm>>) target_semaphore(%arg20 : memref<!tpu.dma_semaphore, #tpu.memory_space<semaphore_mem>>)
    %dma_wait3A_351 = arith.constant 6 : i32
    %dma_wait3A_352 = arith.constant 0 : i32
    %dma_wait3A_353 = tpu.memref_slice %arg4[%dma_wait3A_351, %mul3A_2, %dma_wait3A_352] : memref<36x4096x128xf32, #tpu.memory_space<hbm>> -> memref<1x128x128xf32, #tpu.memory_space<hbm>>
    %dma_wait3A_354 = tpu.memref_squeeze %dma_wait3A_353 : memref<1x128x128xf32, #tpu.memory_space<hbm>> -> memref<128x128xf32, #tpu.memory_space<hbm>>
    %dma_wait3A_355 = arith.constant 0 : i32
    %dma_wait3A_356 = tpu.memref_slice %arg4[%dma_wait3A_351, %mul3A_2, %dma_wait3A_355] : memref<36x4096x128xf32, #tpu.memory_space<hbm>> -> memref<1x128x128xf32, #tpu.memory_space<hbm>>
    %dma_wait3A_357 = tpu.memref_squeeze %dma_wait3A_356 : memref<1x128x128xf32, #tpu.memory_space<hbm>> -> memref<128x128xf32, #tpu.memory_space<hbm>>
    tpu.wait_dma2 semaphore(%arg26 : memref<!tpu.dma_semaphore, #tpu.memory_space<semaphore_mem>>) src(%arg12 : memref<128x128xf32, #tpu.memory_space<vmem>>) dst(%dma_wait3A_357 : memref<128x128xf32, #tpu.memory_space<hbm>>)
    %dma_start3A_358 = arith.constant 13 : i32
    %dma_start3A_359 = arith.constant 13 : i32
    %dma_start3A_360 = arith.constant 0 : i32
    %dma_start3A_361 = tpu.memref_slice %arg5[%dma_start3A_359, %dma_start3A_360] : memref<26x128xi32, #tpu.memory_space<vmem>> -> memref<1x128xi32, #tpu.memory_space<vmem>>
    %dma_start3A_362 = tpu.memref_squeeze %dma_start3A_361 : memref<1x128xi32, #tpu.memory_space<vmem>> -> memref<128xi32, #tpu.memory_space<vmem>>
    %dma_start3A_363 = arith.constant 0 : i32
    %dma_start3A_364 = arith.constant 0 : i32
    %dma_start3A_365 = tpu.memref_slice %arg2[%dma_start3A_358, %dma_start3A_363, %dma_start3A_364] : memref<26x1001x128xf32, #tpu.memory_space<hbm>> -> memref<1x1001x128xf32, #tpu.memory_space<hbm>>
    %dma_start3A_366 = tpu.memref_squeeze %dma_start3A_365 : memref<1x1001x128xf32, #tpu.memory_space<hbm>> -> memref<1001x128xf32, #tpu.memory_space<hbm>>
    %dma_start3A_367 = arith.constant 0 : i32
    %dma_start3A_368 = arith.constant 0 : i32
    %dma_start3A_369 = tpu.memref_slice %dma_start3A_366[%dma_start3A_367, %dma_start3A_368] : memref<1001x128xf32, #tpu.memory_space<hbm>> -> memref<1001x128xf32, #tpu.memory_space<hbm>>
    tpu.enqueue_indirect_dma source(%dma_start3A_369 : memref<1001x128xf32, #tpu.memory_space<hbm>>) target(%arg12 : memref<128x128xf32, #tpu.memory_space<vmem>>) offsets(%dma_start3A_362 : memref<128xi32, #tpu.memory_space<vmem>>) semaphore(%arg19 : memref<!tpu.dma_semaphore, #tpu.memory_space<semaphore_mem>>)
    %dma_wait3A_370 = arith.constant 8 : i32
    %dma_wait3A_371 = arith.constant 8 : i32
    %dma_wait3A_372 = arith.constant 0 : i32
    %dma_wait3A_373 = tpu.memref_slice %arg5[%dma_wait3A_371, %dma_wait3A_372] : memref<26x128xi32, #tpu.memory_space<vmem>> -> memref<1x128xi32, #tpu.memory_space<vmem>>
    %dma_wait3A_374 = tpu.memref_squeeze %dma_wait3A_373 : memref<1x128xi32, #tpu.memory_space<vmem>> -> memref<128xi32, #tpu.memory_space<vmem>>
    %dma_wait3A_375 = arith.constant 0 : i32
    %dma_wait3A_376 = arith.constant 0 : i32
    %dma_wait3A_377 = tpu.memref_slice %arg2[%dma_wait3A_370, %dma_wait3A_375, %dma_wait3A_376] : memref<26x1001x128xf32, #tpu.memory_space<hbm>> -> memref<1x1001x128xf32, #tpu.memory_space<hbm>>
    %dma_wait3A_378 = tpu.memref_squeeze %dma_wait3A_377 : memref<1x1001x128xf32, #tpu.memory_space<hbm>> -> memref<1001x128xf32, #tpu.memory_space<hbm>>
    %dma_wait3A_379 = arith.constant 0 : i32
    %dma_wait3A_380 = arith.constant 0 : i32
    %dma_wait3A_381 = tpu.memref_slice %dma_wait3A_378[%dma_wait3A_379, %dma_wait3A_380] : memref<1001x128xf32, #tpu.memory_space<hbm>> -> memref<1001x128xf32, #tpu.memory_space<hbm>>
    tpu.wait_indirect_dma semaphore(%arg14 : memref<!tpu.dma_semaphore, #tpu.memory_space<semaphore_mem>>) src(%dma_wait3A_381 : memref<1001x128xf32, #tpu.memory_space<hbm>>) dst(%arg7 : memref<128x128xf32, #tpu.memory_space<vmem>>)
    %dma_start3A_382 = arith.constant 8 : i32
    %dma_start3A_383 = arith.constant 0 : i32
    %dma_start3A_384 = tpu.memref_slice %arg4[%dma_start3A_382, %mul3A_2, %dma_start3A_383] : memref<36x4096x128xf32, #tpu.memory_space<hbm>> -> memref<1x128x128xf32, #tpu.memory_space<hbm>>
    %dma_start3A_385 = tpu.memref_squeeze %dma_start3A_384 : memref<1x128x128xf32, #tpu.memory_space<hbm>> -> memref<128x128xf32, #tpu.memory_space<hbm>>
    %dma_start3A_386 = arith.constant 0 : i32
    %dma_start3A_387 = tpu.memref_slice %arg4[%dma_start3A_382, %mul3A_2, %dma_start3A_386] : memref<36x4096x128xf32, #tpu.memory_space<hbm>> -> memref<1x128x128xf32, #tpu.memory_space<hbm>>
    %dma_start3A_388 = tpu.memref_squeeze %dma_start3A_387 : memref<1x128x128xf32, #tpu.memory_space<hbm>> -> memref<128x128xf32, #tpu.memory_space<hbm>>
    tpu.enqueue_dma source(%arg7 : memref<128x128xf32, #tpu.memory_space<vmem>>) target(%dma_start3A_388 : memref<128x128xf32, #tpu.memory_space<hbm>>) target_semaphore(%arg21 : memref<!tpu.dma_semaphore, #tpu.memory_space<semaphore_mem>>)
    %dma_wait3A_389 = arith.constant 7 : i32
    %dma_wait3A_390 = arith.constant 0 : i32
    %dma_wait3A_391 = tpu.memref_slice %arg4[%dma_wait3A_389, %mul3A_2, %dma_wait3A_390] : memref<36x4096x128xf32, #tpu.memory_space<hbm>> -> memref<1x128x128xf32, #tpu.memory_space<hbm>>
    %dma_wait3A_392 = tpu.memref_squeeze %dma_wait3A_391 : memref<1x128x128xf32, #tpu.memory_space<hbm>> -> memref<128x128xf32, #tpu.memory_space<hbm>>
    %dma_wait3A_393 = arith.constant 0 : i32
    %dma_wait3A_394 = tpu.memref_slice %arg4[%dma_wait3A_389, %mul3A_2, %dma_wait3A_393] : memref<36x4096x128xf32, #tpu.memory_space<hbm>> -> memref<1x128x128xf32, #tpu.memory_space<hbm>>
    %dma_wait3A_395 = tpu.memref_squeeze %dma_wait3A_394 : memref<1x128x128xf32, #tpu.memory_space<hbm>> -> memref<128x128xf32, #tpu.memory_space<hbm>>
    tpu.wait_dma2 semaphore(%arg20 : memref<!tpu.dma_semaphore, #tpu.memory_space<semaphore_mem>>) src(%arg6 : memref<128x128xf32, #tpu.memory_space<vmem>>) dst(%dma_wait3A_395 : memref<128x128xf32, #tpu.memory_space<hbm>>)
    %dma_start3A_396 = arith.constant 14 : i32
    %dma_start3A_397 = arith.constant 14 : i32
    %dma_start3A_398 = arith.constant 0 : i32
    %dma_start3A_399 = tpu.memref_slice %arg5[%dma_start3A_397, %dma_start3A_398] : memref<26x128xi32, #tpu.memory_space<vmem>> -> memref<1x128xi32, #tpu.memory_space<vmem>>
    %dma_start3A_400 = tpu.memref_squeeze %dma_start3A_399 : memref<1x128xi32, #tpu.memory_space<vmem>> -> memref<128xi32, #tpu.memory_space<vmem>>
    %dma_start3A_401 = arith.constant 0 : i32
    %dma_start3A_402 = arith.constant 0 : i32
    %dma_start3A_403 = tpu.memref_slice %arg2[%dma_start3A_396, %dma_start3A_401, %dma_start3A_402] : memref<26x1001x128xf32, #tpu.memory_space<hbm>> -> memref<1x1001x128xf32, #tpu.memory_space<hbm>>
    %dma_start3A_404 = tpu.memref_squeeze %dma_start3A_403 : memref<1x1001x128xf32, #tpu.memory_space<hbm>> -> memref<1001x128xf32, #tpu.memory_space<hbm>>
    %dma_start3A_405 = arith.constant 0 : i32
    %dma_start3A_406 = arith.constant 0 : i32
    %dma_start3A_407 = tpu.memref_slice %dma_start3A_404[%dma_start3A_405, %dma_start3A_406] : memref<1001x128xf32, #tpu.memory_space<hbm>> -> memref<1001x128xf32, #tpu.memory_space<hbm>>
    tpu.enqueue_indirect_dma source(%dma_start3A_407 : memref<1001x128xf32, #tpu.memory_space<hbm>>) target(%arg6 : memref<128x128xf32, #tpu.memory_space<vmem>>) offsets(%dma_start3A_400 : memref<128xi32, #tpu.memory_space<vmem>>) semaphore(%arg13 : memref<!tpu.dma_semaphore, #tpu.memory_space<semaphore_mem>>)
    %dma_wait3A_408 = arith.constant 9 : i32
    %dma_wait3A_409 = arith.constant 9 : i32
    %dma_wait3A_410 = arith.constant 0 : i32
    %dma_wait3A_411 = tpu.memref_slice %arg5[%dma_wait3A_409, %dma_wait3A_410] : memref<26x128xi32, #tpu.memory_space<vmem>> -> memref<1x128xi32, #tpu.memory_space<vmem>>
    %dma_wait3A_412 = tpu.memref_squeeze %dma_wait3A_411 : memref<1x128xi32, #tpu.memory_space<vmem>> -> memref<128xi32, #tpu.memory_space<vmem>>
    %dma_wait3A_413 = arith.constant 0 : i32
    %dma_wait3A_414 = arith.constant 0 : i32
    %dma_wait3A_415 = tpu.memref_slice %arg2[%dma_wait3A_408, %dma_wait3A_413, %dma_wait3A_414] : memref<26x1001x128xf32, #tpu.memory_space<hbm>> -> memref<1x1001x128xf32, #tpu.memory_space<hbm>>
    %dma_wait3A_416 = tpu.memref_squeeze %dma_wait3A_415 : memref<1x1001x128xf32, #tpu.memory_space<hbm>> -> memref<1001x128xf32, #tpu.memory_space<hbm>>
    %dma_wait3A_417 = arith.constant 0 : i32
    %dma_wait3A_418 = arith.constant 0 : i32
    %dma_wait3A_419 = tpu.memref_slice %dma_wait3A_416[%dma_wait3A_417, %dma_wait3A_418] : memref<1001x128xf32, #tpu.memory_space<hbm>> -> memref<1001x128xf32, #tpu.memory_space<hbm>>
    tpu.wait_indirect_dma semaphore(%arg15 : memref<!tpu.dma_semaphore, #tpu.memory_space<semaphore_mem>>) src(%dma_wait3A_419 : memref<1001x128xf32, #tpu.memory_space<hbm>>) dst(%arg8 : memref<128x128xf32, #tpu.memory_space<vmem>>)
    %dma_start3A_420 = arith.constant 9 : i32
    %dma_start3A_421 = arith.constant 0 : i32
    %dma_start3A_422 = tpu.memref_slice %arg4[%dma_start3A_420, %mul3A_2, %dma_start3A_421] : memref<36x4096x128xf32, #tpu.memory_space<hbm>> -> memref<1x128x128xf32, #tpu.memory_space<hbm>>
    %dma_start3A_423 = tpu.memref_squeeze %dma_start3A_422 : memref<1x128x128xf32, #tpu.memory_space<hbm>> -> memref<128x128xf32, #tpu.memory_space<hbm>>
    %dma_start3A_424 = arith.constant 0 : i32
    %dma_start3A_425 = tpu.memref_slice %arg4[%dma_start3A_420, %mul3A_2, %dma_start3A_424] : memref<36x4096x128xf32, #tpu.memory_space<hbm>> -> memref<1x128x128xf32, #tpu.memory_space<hbm>>
    %dma_start3A_426 = tpu.memref_squeeze %dma_start3A_425 : memref<1x128x128xf32, #tpu.memory_space<hbm>> -> memref<128x128xf32, #tpu.memory_space<hbm>>
    tpu.enqueue_dma source(%arg8 : memref<128x128xf32, #tpu.memory_space<vmem>>) target(%dma_start3A_426 : memref<128x128xf32, #tpu.memory_space<hbm>>) target_semaphore(%arg22 : memref<!tpu.dma_semaphore, #tpu.memory_space<semaphore_mem>>)
    %dma_wait3A_427 = arith.constant 8 : i32
    %dma_wait3A_428 = arith.constant 0 : i32
    %dma_wait3A_429 = tpu.memref_slice %arg4[%dma_wait3A_427, %mul3A_2, %dma_wait3A_428] : memref<36x4096x128xf32, #tpu.memory_space<hbm>> -> memref<1x128x128xf32, #tpu.memory_space<hbm>>
    %dma_wait3A_430 = tpu.memref_squeeze %dma_wait3A_429 : memref<1x128x128xf32, #tpu.memory_space<hbm>> -> memref<128x128xf32, #tpu.memory_space<hbm>>
    %dma_wait3A_431 = arith.constant 0 : i32
    %dma_wait3A_432 = tpu.memref_slice %arg4[%dma_wait3A_427, %mul3A_2, %dma_wait3A_431] : memref<36x4096x128xf32, #tpu.memory_space<hbm>> -> memref<1x128x128xf32, #tpu.memory_space<hbm>>
    %dma_wait3A_433 = tpu.memref_squeeze %dma_wait3A_432 : memref<1x128x128xf32, #tpu.memory_space<hbm>> -> memref<128x128xf32, #tpu.memory_space<hbm>>
    tpu.wait_dma2 semaphore(%arg21 : memref<!tpu.dma_semaphore, #tpu.memory_space<semaphore_mem>>) src(%arg7 : memref<128x128xf32, #tpu.memory_space<vmem>>) dst(%dma_wait3A_433 : memref<128x128xf32, #tpu.memory_space<hbm>>)
    %dma_start3A_434 = arith.constant 15 : i32
    %dma_start3A_435 = arith.constant 15 : i32
    %dma_start3A_436 = arith.constant 0 : i32
    %dma_start3A_437 = tpu.memref_slice %arg5[%dma_start3A_435, %dma_start3A_436] : memref<26x128xi32, #tpu.memory_space<vmem>> -> memref<1x128xi32, #tpu.memory_space<vmem>>
    %dma_start3A_438 = tpu.memref_squeeze %dma_start3A_437 : memref<1x128xi32, #tpu.memory_space<vmem>> -> memref<128xi32, #tpu.memory_space<vmem>>
    %dma_start3A_439 = arith.constant 0 : i32
    %dma_start3A_440 = arith.constant 0 : i32
    %dma_start3A_441 = tpu.memref_slice %arg2[%dma_start3A_434, %dma_start3A_439, %dma_start3A_440] : memref<26x1001x128xf32, #tpu.memory_space<hbm>> -> memref<1x1001x128xf32, #tpu.memory_space<hbm>>
    %dma_start3A_442 = tpu.memref_squeeze %dma_start3A_441 : memref<1x1001x128xf32, #tpu.memory_space<hbm>> -> memref<1001x128xf32, #tpu.memory_space<hbm>>
    %dma_start3A_443 = arith.constant 0 : i32
    %dma_start3A_444 = arith.constant 0 : i32
    %dma_start3A_445 = tpu.memref_slice %dma_start3A_442[%dma_start3A_443, %dma_start3A_444] : memref<1001x128xf32, #tpu.memory_space<hbm>> -> memref<1001x128xf32, #tpu.memory_space<hbm>>
    tpu.enqueue_indirect_dma source(%dma_start3A_445 : memref<1001x128xf32, #tpu.memory_space<hbm>>) target(%arg7 : memref<128x128xf32, #tpu.memory_space<vmem>>) offsets(%dma_start3A_438 : memref<128xi32, #tpu.memory_space<vmem>>) semaphore(%arg14 : memref<!tpu.dma_semaphore, #tpu.memory_space<semaphore_mem>>)
    %dma_wait3A_446 = arith.constant 10 : i32
    %dma_wait3A_447 = arith.constant 10 : i32
    %dma_wait3A_448 = arith.constant 0 : i32
    %dma_wait3A_449 = tpu.memref_slice %arg5[%dma_wait3A_447, %dma_wait3A_448] : memref<26x128xi32, #tpu.memory_space<vmem>> -> memref<1x128xi32, #tpu.memory_space<vmem>>
    %dma_wait3A_450 = tpu.memref_squeeze %dma_wait3A_449 : memref<1x128xi32, #tpu.memory_space<vmem>> -> memref<128xi32, #tpu.memory_space<vmem>>
    %dma_wait3A_451 = arith.constant 0 : i32
    %dma_wait3A_452 = arith.constant 0 : i32
    %dma_wait3A_453 = tpu.memref_slice %arg2[%dma_wait3A_446, %dma_wait3A_451, %dma_wait3A_452] : memref<26x1001x128xf32, #tpu.memory_space<hbm>> -> memref<1x1001x128xf32, #tpu.memory_space<hbm>>
    %dma_wait3A_454 = tpu.memref_squeeze %dma_wait3A_453 : memref<1x1001x128xf32, #tpu.memory_space<hbm>> -> memref<1001x128xf32, #tpu.memory_space<hbm>>
    %dma_wait3A_455 = arith.constant 0 : i32
    %dma_wait3A_456 = arith.constant 0 : i32
    %dma_wait3A_457 = tpu.memref_slice %dma_wait3A_454[%dma_wait3A_455, %dma_wait3A_456] : memref<1001x128xf32, #tpu.memory_space<hbm>> -> memref<1001x128xf32, #tpu.memory_space<hbm>>
    tpu.wait_indirect_dma semaphore(%arg16 : memref<!tpu.dma_semaphore, #tpu.memory_space<semaphore_mem>>) src(%dma_wait3A_457 : memref<1001x128xf32, #tpu.memory_space<hbm>>) dst(%arg9 : memref<128x128xf32, #tpu.memory_space<vmem>>)
    %dma_start3A_458 = arith.constant 10 : i32
    %dma_start3A_459 = arith.constant 0 : i32
    %dma_start3A_460 = tpu.memref_slice %arg4[%dma_start3A_458, %mul3A_2, %dma_start3A_459] : memref<36x4096x128xf32, #tpu.memory_space<hbm>> -> memref<1x128x128xf32, #tpu.memory_space<hbm>>
    %dma_start3A_461 = tpu.memref_squeeze %dma_start3A_460 : memref<1x128x128xf32, #tpu.memory_space<hbm>> -> memref<128x128xf32, #tpu.memory_space<hbm>>
    %dma_start3A_462 = arith.constant 0 : i32
    %dma_start3A_463 = tpu.memref_slice %arg4[%dma_start3A_458, %mul3A_2, %dma_start3A_462] : memref<36x4096x128xf32, #tpu.memory_space<hbm>> -> memref<1x128x128xf32, #tpu.memory_space<hbm>>
    %dma_start3A_464 = tpu.memref_squeeze %dma_start3A_463 : memref<1x128x128xf32, #tpu.memory_space<hbm>> -> memref<128x128xf32, #tpu.memory_space<hbm>>
    tpu.enqueue_dma source(%arg9 : memref<128x128xf32, #tpu.memory_space<vmem>>) target(%dma_start3A_464 : memref<128x128xf32, #tpu.memory_space<hbm>>) target_semaphore(%arg23 : memref<!tpu.dma_semaphore, #tpu.memory_space<semaphore_mem>>)
    %dma_wait3A_465 = arith.constant 9 : i32
    %dma_wait3A_466 = arith.constant 0 : i32
    %dma_wait3A_467 = tpu.memref_slice %arg4[%dma_wait3A_465, %mul3A_2, %dma_wait3A_466] : memref<36x4096x128xf32, #tpu.memory_space<hbm>> -> memref<1x128x128xf32, #tpu.memory_space<hbm>>
    %dma_wait3A_468 = tpu.memref_squeeze %dma_wait3A_467 : memref<1x128x128xf32, #tpu.memory_space<hbm>> -> memref<128x128xf32, #tpu.memory_space<hbm>>
    %dma_wait3A_469 = arith.constant 0 : i32
    %dma_wait3A_470 = tpu.memref_slice %arg4[%dma_wait3A_465, %mul3A_2, %dma_wait3A_469] : memref<36x4096x128xf32, #tpu.memory_space<hbm>> -> memref<1x128x128xf32, #tpu.memory_space<hbm>>
    %dma_wait3A_471 = tpu.memref_squeeze %dma_wait3A_470 : memref<1x128x128xf32, #tpu.memory_space<hbm>> -> memref<128x128xf32, #tpu.memory_space<hbm>>
    tpu.wait_dma2 semaphore(%arg22 : memref<!tpu.dma_semaphore, #tpu.memory_space<semaphore_mem>>) src(%arg8 : memref<128x128xf32, #tpu.memory_space<vmem>>) dst(%dma_wait3A_471 : memref<128x128xf32, #tpu.memory_space<hbm>>)
    %dma_start3A_472 = arith.constant 16 : i32
    %dma_start3A_473 = arith.constant 16 : i32
    %dma_start3A_474 = arith.constant 0 : i32
    %dma_start3A_475 = tpu.memref_slice %arg5[%dma_start3A_473, %dma_start3A_474] : memref<26x128xi32, #tpu.memory_space<vmem>> -> memref<1x128xi32, #tpu.memory_space<vmem>>
    %dma_start3A_476 = tpu.memref_squeeze %dma_start3A_475 : memref<1x128xi32, #tpu.memory_space<vmem>> -> memref<128xi32, #tpu.memory_space<vmem>>
    %dma_start3A_477 = arith.constant 0 : i32
    %dma_start3A_478 = arith.constant 0 : i32
    %dma_start3A_479 = tpu.memref_slice %arg2[%dma_start3A_472, %dma_start3A_477, %dma_start3A_478] : memref<26x1001x128xf32, #tpu.memory_space<hbm>> -> memref<1x1001x128xf32, #tpu.memory_space<hbm>>
    %dma_start3A_480 = tpu.memref_squeeze %dma_start3A_479 : memref<1x1001x128xf32, #tpu.memory_space<hbm>> -> memref<1001x128xf32, #tpu.memory_space<hbm>>
    %dma_start3A_481 = arith.constant 0 : i32
    %dma_start3A_482 = arith.constant 0 : i32
    %dma_start3A_483 = tpu.memref_slice %dma_start3A_480[%dma_start3A_481, %dma_start3A_482] : memref<1001x128xf32, #tpu.memory_space<hbm>> -> memref<1001x128xf32, #tpu.memory_space<hbm>>
    tpu.enqueue_indirect_dma source(%dma_start3A_483 : memref<1001x128xf32, #tpu.memory_space<hbm>>) target(%arg8 : memref<128x128xf32, #tpu.memory_space<vmem>>) offsets(%dma_start3A_476 : memref<128xi32, #tpu.memory_space<vmem>>) semaphore(%arg15 : memref<!tpu.dma_semaphore, #tpu.memory_space<semaphore_mem>>)
    %dma_wait3A_484 = arith.constant 11 : i32
    %dma_wait3A_485 = arith.constant 11 : i32
    %dma_wait3A_486 = arith.constant 0 : i32
    %dma_wait3A_487 = tpu.memref_slice %arg5[%dma_wait3A_485, %dma_wait3A_486] : memref<26x128xi32, #tpu.memory_space<vmem>> -> memref<1x128xi32, #tpu.memory_space<vmem>>
    %dma_wait3A_488 = tpu.memref_squeeze %dma_wait3A_487 : memref<1x128xi32, #tpu.memory_space<vmem>> -> memref<128xi32, #tpu.memory_space<vmem>>
    %dma_wait3A_489 = arith.constant 0 : i32
    %dma_wait3A_490 = arith.constant 0 : i32
    %dma_wait3A_491 = tpu.memref_slice %arg2[%dma_wait3A_484, %dma_wait3A_489, %dma_wait3A_490] : memref<26x1001x128xf32, #tpu.memory_space<hbm>> -> memref<1x1001x128xf32, #tpu.memory_space<hbm>>
    %dma_wait3A_492 = tpu.memref_squeeze %dma_wait3A_491 : memref<1x1001x128xf32, #tpu.memory_space<hbm>> -> memref<1001x128xf32, #tpu.memory_space<hbm>>
    %dma_wait3A_493 = arith.constant 0 : i32
    %dma_wait3A_494 = arith.constant 0 : i32
    %dma_wait3A_495 = tpu.memref_slice %dma_wait3A_492[%dma_wait3A_493, %dma_wait3A_494] : memref<1001x128xf32, #tpu.memory_space<hbm>> -> memref<1001x128xf32, #tpu.memory_space<hbm>>
    tpu.wait_indirect_dma semaphore(%arg17 : memref<!tpu.dma_semaphore, #tpu.memory_space<semaphore_mem>>) src(%dma_wait3A_495 : memref<1001x128xf32, #tpu.memory_space<hbm>>) dst(%arg10 : memref<128x128xf32, #tpu.memory_space<vmem>>)
    %dma_start3A_496 = arith.constant 11 : i32
    %dma_start3A_497 = arith.constant 0 : i32
    %dma_start3A_498 = tpu.memref_slice %arg4[%dma_start3A_496, %mul3A_2, %dma_start3A_497] : memref<36x4096x128xf32, #tpu.memory_space<hbm>> -> memref<1x128x128xf32, #tpu.memory_space<hbm>>
    %dma_start3A_499 = tpu.memref_squeeze %dma_start3A_498 : memref<1x128x128xf32, #tpu.memory_space<hbm>> -> memref<128x128xf32, #tpu.memory_space<hbm>>
    %dma_start3A_500 = arith.constant 0 : i32
    %dma_start3A_501 = tpu.memref_slice %arg4[%dma_start3A_496, %mul3A_2, %dma_start3A_500] : memref<36x4096x128xf32, #tpu.memory_space<hbm>> -> memref<1x128x128xf32, #tpu.memory_space<hbm>>
    %dma_start3A_502 = tpu.memref_squeeze %dma_start3A_501 : memref<1x128x128xf32, #tpu.memory_space<hbm>> -> memref<128x128xf32, #tpu.memory_space<hbm>>
    tpu.enqueue_dma source(%arg10 : memref<128x128xf32, #tpu.memory_space<vmem>>) target(%dma_start3A_502 : memref<128x128xf32, #tpu.memory_space<hbm>>) target_semaphore(%arg24 : memref<!tpu.dma_semaphore, #tpu.memory_space<semaphore_mem>>)
    %dma_wait3A_503 = arith.constant 10 : i32
    %dma_wait3A_504 = arith.constant 0 : i32
    %dma_wait3A_505 = tpu.memref_slice %arg4[%dma_wait3A_503, %mul3A_2, %dma_wait3A_504] : memref<36x4096x128xf32, #tpu.memory_space<hbm>> -> memref<1x128x128xf32, #tpu.memory_space<hbm>>
    %dma_wait3A_506 = tpu.memref_squeeze %dma_wait3A_505 : memref<1x128x128xf32, #tpu.memory_space<hbm>> -> memref<128x128xf32, #tpu.memory_space<hbm>>
    %dma_wait3A_507 = arith.constant 0 : i32
    %dma_wait3A_508 = tpu.memref_slice %arg4[%dma_wait3A_503, %mul3A_2, %dma_wait3A_507] : memref<36x4096x128xf32, #tpu.memory_space<hbm>> -> memref<1x128x128xf32, #tpu.memory_space<hbm>>
    %dma_wait3A_509 = tpu.memref_squeeze %dma_wait3A_508 : memref<1x128x128xf32, #tpu.memory_space<hbm>> -> memref<128x128xf32, #tpu.memory_space<hbm>>
    tpu.wait_dma2 semaphore(%arg23 : memref<!tpu.dma_semaphore, #tpu.memory_space<semaphore_mem>>) src(%arg9 : memref<128x128xf32, #tpu.memory_space<vmem>>) dst(%dma_wait3A_509 : memref<128x128xf32, #tpu.memory_space<hbm>>)
    %dma_start3A_510 = arith.constant 17 : i32
    %dma_start3A_511 = arith.constant 17 : i32
    %dma_start3A_512 = arith.constant 0 : i32
    %dma_start3A_513 = tpu.memref_slice %arg5[%dma_start3A_511, %dma_start3A_512] : memref<26x128xi32, #tpu.memory_space<vmem>> -> memref<1x128xi32, #tpu.memory_space<vmem>>
    %dma_start3A_514 = tpu.memref_squeeze %dma_start3A_513 : memref<1x128xi32, #tpu.memory_space<vmem>> -> memref<128xi32, #tpu.memory_space<vmem>>
    %dma_start3A_515 = arith.constant 0 : i32
    %dma_start3A_516 = arith.constant 0 : i32
    %dma_start3A_517 = tpu.memref_slice %arg2[%dma_start3A_510, %dma_start3A_515, %dma_start3A_516] : memref<26x1001x128xf32, #tpu.memory_space<hbm>> -> memref<1x1001x128xf32, #tpu.memory_space<hbm>>
    %dma_start3A_518 = tpu.memref_squeeze %dma_start3A_517 : memref<1x1001x128xf32, #tpu.memory_space<hbm>> -> memref<1001x128xf32, #tpu.memory_space<hbm>>
    %dma_start3A_519 = arith.constant 0 : i32
    %dma_start3A_520 = arith.constant 0 : i32
    %dma_start3A_521 = tpu.memref_slice %dma_start3A_518[%dma_start3A_519, %dma_start3A_520] : memref<1001x128xf32, #tpu.memory_space<hbm>> -> memref<1001x128xf32, #tpu.memory_space<hbm>>
    tpu.enqueue_indirect_dma source(%dma_start3A_521 : memref<1001x128xf32, #tpu.memory_space<hbm>>) target(%arg9 : memref<128x128xf32, #tpu.memory_space<vmem>>) offsets(%dma_start3A_514 : memref<128xi32, #tpu.memory_space<vmem>>) semaphore(%arg16 : memref<!tpu.dma_semaphore, #tpu.memory_space<semaphore_mem>>)
    %dma_wait3A_522 = arith.constant 12 : i32
    %dma_wait3A_523 = arith.constant 12 : i32
    %dma_wait3A_524 = arith.constant 0 : i32
    %dma_wait3A_525 = tpu.memref_slice %arg5[%dma_wait3A_523, %dma_wait3A_524] : memref<26x128xi32, #tpu.memory_space<vmem>> -> memref<1x128xi32, #tpu.memory_space<vmem>>
    %dma_wait3A_526 = tpu.memref_squeeze %dma_wait3A_525 : memref<1x128xi32, #tpu.memory_space<vmem>> -> memref<128xi32, #tpu.memory_space<vmem>>
    %dma_wait3A_527 = arith.constant 0 : i32
    %dma_wait3A_528 = arith.constant 0 : i32
    %dma_wait3A_529 = tpu.memref_slice %arg2[%dma_wait3A_522, %dma_wait3A_527, %dma_wait3A_528] : memref<26x1001x128xf32, #tpu.memory_space<hbm>> -> memref<1x1001x128xf32, #tpu.memory_space<hbm>>
    %dma_wait3A_530 = tpu.memref_squeeze %dma_wait3A_529 : memref<1x1001x128xf32, #tpu.memory_space<hbm>> -> memref<1001x128xf32, #tpu.memory_space<hbm>>
    %dma_wait3A_531 = arith.constant 0 : i32
    %dma_wait3A_532 = arith.constant 0 : i32
    %dma_wait3A_533 = tpu.memref_slice %dma_wait3A_530[%dma_wait3A_531, %dma_wait3A_532] : memref<1001x128xf32, #tpu.memory_space<hbm>> -> memref<1001x128xf32, #tpu.memory_space<hbm>>
    tpu.wait_indirect_dma semaphore(%arg18 : memref<!tpu.dma_semaphore, #tpu.memory_space<semaphore_mem>>) src(%dma_wait3A_533 : memref<1001x128xf32, #tpu.memory_space<hbm>>) dst(%arg11 : memref<128x128xf32, #tpu.memory_space<vmem>>)
    %dma_start3A_534 = arith.constant 12 : i32
    %dma_start3A_535 = arith.constant 0 : i32
    %dma_start3A_536 = tpu.memref_slice %arg4[%dma_start3A_534, %mul3A_2, %dma_start3A_535] : memref<36x4096x128xf32, #tpu.memory_space<hbm>> -> memref<1x128x128xf32, #tpu.memory_space<hbm>>
    %dma_start3A_537 = tpu.memref_squeeze %dma_start3A_536 : memref<1x128x128xf32, #tpu.memory_space<hbm>> -> memref<128x128xf32, #tpu.memory_space<hbm>>
    %dma_start3A_538 = arith.constant 0 : i32
    %dma_start3A_539 = tpu.memref_slice %arg4[%dma_start3A_534, %mul3A_2, %dma_start3A_538] : memref<36x4096x128xf32, #tpu.memory_space<hbm>> -> memref<1x128x128xf32, #tpu.memory_space<hbm>>
    %dma_start3A_540 = tpu.memref_squeeze %dma_start3A_539 : memref<1x128x128xf32, #tpu.memory_space<hbm>> -> memref<128x128xf32, #tpu.memory_space<hbm>>
    tpu.enqueue_dma source(%arg11 : memref<128x128xf32, #tpu.memory_space<vmem>>) target(%dma_start3A_540 : memref<128x128xf32, #tpu.memory_space<hbm>>) target_semaphore(%arg25 : memref<!tpu.dma_semaphore, #tpu.memory_space<semaphore_mem>>)
    %dma_wait3A_541 = arith.constant 11 : i32
    %dma_wait3A_542 = arith.constant 0 : i32
    %dma_wait3A_543 = tpu.memref_slice %arg4[%dma_wait3A_541, %mul3A_2, %dma_wait3A_542] : memref<36x4096x128xf32, #tpu.memory_space<hbm>> -> memref<1x128x128xf32, #tpu.memory_space<hbm>>
    %dma_wait3A_544 = tpu.memref_squeeze %dma_wait3A_543 : memref<1x128x128xf32, #tpu.memory_space<hbm>> -> memref<128x128xf32, #tpu.memory_space<hbm>>
    %dma_wait3A_545 = arith.constant 0 : i32
    %dma_wait3A_546 = tpu.memref_slice %arg4[%dma_wait3A_541, %mul3A_2, %dma_wait3A_545] : memref<36x4096x128xf32, #tpu.memory_space<hbm>> -> memref<1x128x128xf32, #tpu.memory_space<hbm>>
    %dma_wait3A_547 = tpu.memref_squeeze %dma_wait3A_546 : memref<1x128x128xf32, #tpu.memory_space<hbm>> -> memref<128x128xf32, #tpu.memory_space<hbm>>
    tpu.wait_dma2 semaphore(%arg24 : memref<!tpu.dma_semaphore, #tpu.memory_space<semaphore_mem>>) src(%arg10 : memref<128x128xf32, #tpu.memory_space<vmem>>) dst(%dma_wait3A_547 : memref<128x128xf32, #tpu.memory_space<hbm>>)
    %dma_start3A_548 = arith.constant 18 : i32
    %dma_start3A_549 = arith.constant 18 : i32
    %dma_start3A_550 = arith.constant 0 : i32
    %dma_start3A_551 = tpu.memref_slice %arg5[%dma_start3A_549, %dma_start3A_550] : memref<26x128xi32, #tpu.memory_space<vmem>> -> memref<1x128xi32, #tpu.memory_space<vmem>>
    %dma_start3A_552 = tpu.memref_squeeze %dma_start3A_551 : memref<1x128xi32, #tpu.memory_space<vmem>> -> memref<128xi32, #tpu.memory_space<vmem>>
    %dma_start3A_553 = arith.constant 0 : i32
    %dma_start3A_554 = arith.constant 0 : i32
    %dma_start3A_555 = tpu.memref_slice %arg2[%dma_start3A_548, %dma_start3A_553, %dma_start3A_554] : memref<26x1001x128xf32, #tpu.memory_space<hbm>> -> memref<1x1001x128xf32, #tpu.memory_space<hbm>>
    %dma_start3A_556 = tpu.memref_squeeze %dma_start3A_555 : memref<1x1001x128xf32, #tpu.memory_space<hbm>> -> memref<1001x128xf32, #tpu.memory_space<hbm>>
    %dma_start3A_557 = arith.constant 0 : i32
    %dma_start3A_558 = arith.constant 0 : i32
    %dma_start3A_559 = tpu.memref_slice %dma_start3A_556[%dma_start3A_557, %dma_start3A_558] : memref<1001x128xf32, #tpu.memory_space<hbm>> -> memref<1001x128xf32, #tpu.memory_space<hbm>>
    tpu.enqueue_indirect_dma source(%dma_start3A_559 : memref<1001x128xf32, #tpu.memory_space<hbm>>) target(%arg10 : memref<128x128xf32, #tpu.memory_space<vmem>>) offsets(%dma_start3A_552 : memref<128xi32, #tpu.memory_space<vmem>>) semaphore(%arg17 : memref<!tpu.dma_semaphore, #tpu.memory_space<semaphore_mem>>)
    %dma_wait3A_560 = arith.constant 13 : i32
    %dma_wait3A_561 = arith.constant 13 : i32
    %dma_wait3A_562 = arith.constant 0 : i32
    %dma_wait3A_563 = tpu.memref_slice %arg5[%dma_wait3A_561, %dma_wait3A_562] : memref<26x128xi32, #tpu.memory_space<vmem>> -> memref<1x128xi32, #tpu.memory_space<vmem>>
    %dma_wait3A_564 = tpu.memref_squeeze %dma_wait3A_563 : memref<1x128xi32, #tpu.memory_space<vmem>> -> memref<128xi32, #tpu.memory_space<vmem>>
    %dma_wait3A_565 = arith.constant 0 : i32
    %dma_wait3A_566 = arith.constant 0 : i32
    %dma_wait3A_567 = tpu.memref_slice %arg2[%dma_wait3A_560, %dma_wait3A_565, %dma_wait3A_566] : memref<26x1001x128xf32, #tpu.memory_space<hbm>> -> memref<1x1001x128xf32, #tpu.memory_space<hbm>>
    %dma_wait3A_568 = tpu.memref_squeeze %dma_wait3A_567 : memref<1x1001x128xf32, #tpu.memory_space<hbm>> -> memref<1001x128xf32, #tpu.memory_space<hbm>>
    %dma_wait3A_569 = arith.constant 0 : i32
    %dma_wait3A_570 = arith.constant 0 : i32
    %dma_wait3A_571 = tpu.memref_slice %dma_wait3A_568[%dma_wait3A_569, %dma_wait3A_570] : memref<1001x128xf32, #tpu.memory_space<hbm>> -> memref<1001x128xf32, #tpu.memory_space<hbm>>
    tpu.wait_indirect_dma semaphore(%arg19 : memref<!tpu.dma_semaphore, #tpu.memory_space<semaphore_mem>>) src(%dma_wait3A_571 : memref<1001x128xf32, #tpu.memory_space<hbm>>) dst(%arg12 : memref<128x128xf32, #tpu.memory_space<vmem>>)
    %dma_start3A_572 = arith.constant 13 : i32
    %dma_start3A_573 = arith.constant 0 : i32
    %dma_start3A_574 = tpu.memref_slice %arg4[%dma_start3A_572, %mul3A_2, %dma_start3A_573] : memref<36x4096x128xf32, #tpu.memory_space<hbm>> -> memref<1x128x128xf32, #tpu.memory_space<hbm>>
    %dma_start3A_575 = tpu.memref_squeeze %dma_start3A_574 : memref<1x128x128xf32, #tpu.memory_space<hbm>> -> memref<128x128xf32, #tpu.memory_space<hbm>>
    %dma_start3A_576 = arith.constant 0 : i32
    %dma_start3A_577 = tpu.memref_slice %arg4[%dma_start3A_572, %mul3A_2, %dma_start3A_576] : memref<36x4096x128xf32, #tpu.memory_space<hbm>> -> memref<1x128x128xf32, #tpu.memory_space<hbm>>
    %dma_start3A_578 = tpu.memref_squeeze %dma_start3A_577 : memref<1x128x128xf32, #tpu.memory_space<hbm>> -> memref<128x128xf32, #tpu.memory_space<hbm>>
    tpu.enqueue_dma source(%arg12 : memref<128x128xf32, #tpu.memory_space<vmem>>) target(%dma_start3A_578 : memref<128x128xf32, #tpu.memory_space<hbm>>) target_semaphore(%arg26 : memref<!tpu.dma_semaphore, #tpu.memory_space<semaphore_mem>>)
    %dma_wait3A_579 = arith.constant 12 : i32
    %dma_wait3A_580 = arith.constant 0 : i32
    %dma_wait3A_581 = tpu.memref_slice %arg4[%dma_wait3A_579, %mul3A_2, %dma_wait3A_580] : memref<36x4096x128xf32, #tpu.memory_space<hbm>> -> memref<1x128x128xf32, #tpu.memory_space<hbm>>
    %dma_wait3A_582 = tpu.memref_squeeze %dma_wait3A_581 : memref<1x128x128xf32, #tpu.memory_space<hbm>> -> memref<128x128xf32, #tpu.memory_space<hbm>>
    %dma_wait3A_583 = arith.constant 0 : i32
    %dma_wait3A_584 = tpu.memref_slice %arg4[%dma_wait3A_579, %mul3A_2, %dma_wait3A_583] : memref<36x4096x128xf32, #tpu.memory_space<hbm>> -> memref<1x128x128xf32, #tpu.memory_space<hbm>>
    %dma_wait3A_585 = tpu.memref_squeeze %dma_wait3A_584 : memref<1x128x128xf32, #tpu.memory_space<hbm>> -> memref<128x128xf32, #tpu.memory_space<hbm>>
    tpu.wait_dma2 semaphore(%arg25 : memref<!tpu.dma_semaphore, #tpu.memory_space<semaphore_mem>>) src(%arg11 : memref<128x128xf32, #tpu.memory_space<vmem>>) dst(%dma_wait3A_585 : memref<128x128xf32, #tpu.memory_space<hbm>>)
    %dma_start3A_586 = arith.constant 19 : i32
    %dma_start3A_587 = arith.constant 19 : i32
    %dma_start3A_588 = arith.constant 0 : i32
    %dma_start3A_589 = tpu.memref_slice %arg5[%dma_start3A_587, %dma_start3A_588] : memref<26x128xi32, #tpu.memory_space<vmem>> -> memref<1x128xi32, #tpu.memory_space<vmem>>
    %dma_start3A_590 = tpu.memref_squeeze %dma_start3A_589 : memref<1x128xi32, #tpu.memory_space<vmem>> -> memref<128xi32, #tpu.memory_space<vmem>>
    %dma_start3A_591 = arith.constant 0 : i32
    %dma_start3A_592 = arith.constant 0 : i32
    %dma_start3A_593 = tpu.memref_slice %arg2[%dma_start3A_586, %dma_start3A_591, %dma_start3A_592] : memref<26x1001x128xf32, #tpu.memory_space<hbm>> -> memref<1x1001x128xf32, #tpu.memory_space<hbm>>
    %dma_start3A_594 = tpu.memref_squeeze %dma_start3A_593 : memref<1x1001x128xf32, #tpu.memory_space<hbm>> -> memref<1001x128xf32, #tpu.memory_space<hbm>>
    %dma_start3A_595 = arith.constant 0 : i32
    %dma_start3A_596 = arith.constant 0 : i32
    %dma_start3A_597 = tpu.memref_slice %dma_start3A_594[%dma_start3A_595, %dma_start3A_596] : memref<1001x128xf32, #tpu.memory_space<hbm>> -> memref<1001x128xf32, #tpu.memory_space<hbm>>
    tpu.enqueue_indirect_dma source(%dma_start3A_597 : memref<1001x128xf32, #tpu.memory_space<hbm>>) target(%arg11 : memref<128x128xf32, #tpu.memory_space<vmem>>) offsets(%dma_start3A_590 : memref<128xi32, #tpu.memory_space<vmem>>) semaphore(%arg18 : memref<!tpu.dma_semaphore, #tpu.memory_space<semaphore_mem>>)
    %dma_wait3A_598 = arith.constant 14 : i32
    %dma_wait3A_599 = arith.constant 14 : i32
    %dma_wait3A_600 = arith.constant 0 : i32
    %dma_wait3A_601 = tpu.memref_slice %arg5[%dma_wait3A_599, %dma_wait3A_600] : memref<26x128xi32, #tpu.memory_space<vmem>> -> memref<1x128xi32, #tpu.memory_space<vmem>>
    %dma_wait3A_602 = tpu.memref_squeeze %dma_wait3A_601 : memref<1x128xi32, #tpu.memory_space<vmem>> -> memref<128xi32, #tpu.memory_space<vmem>>
    %dma_wait3A_603 = arith.constant 0 : i32
    %dma_wait3A_604 = arith.constant 0 : i32
    %dma_wait3A_605 = tpu.memref_slice %arg2[%dma_wait3A_598, %dma_wait3A_603, %dma_wait3A_604] : memref<26x1001x128xf32, #tpu.memory_space<hbm>> -> memref<1x1001x128xf32, #tpu.memory_space<hbm>>
    %dma_wait3A_606 = tpu.memref_squeeze %dma_wait3A_605 : memref<1x1001x128xf32, #tpu.memory_space<hbm>> -> memref<1001x128xf32, #tpu.memory_space<hbm>>
    %dma_wait3A_607 = arith.constant 0 : i32
    %dma_wait3A_608 = arith.constant 0 : i32
    %dma_wait3A_609 = tpu.memref_slice %dma_wait3A_606[%dma_wait3A_607, %dma_wait3A_608] : memref<1001x128xf32, #tpu.memory_space<hbm>> -> memref<1001x128xf32, #tpu.memory_space<hbm>>
    tpu.wait_indirect_dma semaphore(%arg13 : memref<!tpu.dma_semaphore, #tpu.memory_space<semaphore_mem>>) src(%dma_wait3A_609 : memref<1001x128xf32, #tpu.memory_space<hbm>>) dst(%arg6 : memref<128x128xf32, #tpu.memory_space<vmem>>)
    %dma_start3A_610 = arith.constant 14 : i32
    %dma_start3A_611 = arith.constant 0 : i32
    %dma_start3A_612 = tpu.memref_slice %arg4[%dma_start3A_610, %mul3A_2, %dma_start3A_611] : memref<36x4096x128xf32, #tpu.memory_space<hbm>> -> memref<1x128x128xf32, #tpu.memory_space<hbm>>
    %dma_start3A_613 = tpu.memref_squeeze %dma_start3A_612 : memref<1x128x128xf32, #tpu.memory_space<hbm>> -> memref<128x128xf32, #tpu.memory_space<hbm>>
    %dma_start3A_614 = arith.constant 0 : i32
    %dma_start3A_615 = tpu.memref_slice %arg4[%dma_start3A_610, %mul3A_2, %dma_start3A_614] : memref<36x4096x128xf32, #tpu.memory_space<hbm>> -> memref<1x128x128xf32, #tpu.memory_space<hbm>>
    %dma_start3A_616 = tpu.memref_squeeze %dma_start3A_615 : memref<1x128x128xf32, #tpu.memory_space<hbm>> -> memref<128x128xf32, #tpu.memory_space<hbm>>
    tpu.enqueue_dma source(%arg6 : memref<128x128xf32, #tpu.memory_space<vmem>>) target(%dma_start3A_616 : memref<128x128xf32, #tpu.memory_space<hbm>>) target_semaphore(%arg20 : memref<!tpu.dma_semaphore, #tpu.memory_space<semaphore_mem>>)
    %dma_wait3A_617 = arith.constant 13 : i32
    %dma_wait3A_618 = arith.constant 0 : i32
    %dma_wait3A_619 = tpu.memref_slice %arg4[%dma_wait3A_617, %mul3A_2, %dma_wait3A_618] : memref<36x4096x128xf32, #tpu.memory_space<hbm>> -> memref<1x128x128xf32, #tpu.memory_space<hbm>>
    %dma_wait3A_620 = tpu.memref_squeeze %dma_wait3A_619 : memref<1x128x128xf32, #tpu.memory_space<hbm>> -> memref<128x128xf32, #tpu.memory_space<hbm>>
    %dma_wait3A_621 = arith.constant 0 : i32
    %dma_wait3A_622 = tpu.memref_slice %arg4[%dma_wait3A_617, %mul3A_2, %dma_wait3A_621] : memref<36x4096x128xf32, #tpu.memory_space<hbm>> -> memref<1x128x128xf32, #tpu.memory_space<hbm>>
    %dma_wait3A_623 = tpu.memref_squeeze %dma_wait3A_622 : memref<1x128x128xf32, #tpu.memory_space<hbm>> -> memref<128x128xf32, #tpu.memory_space<hbm>>
    tpu.wait_dma2 semaphore(%arg26 : memref<!tpu.dma_semaphore, #tpu.memory_space<semaphore_mem>>) src(%arg12 : memref<128x128xf32, #tpu.memory_space<vmem>>) dst(%dma_wait3A_623 : memref<128x128xf32, #tpu.memory_space<hbm>>)
    %dma_start3A_624 = arith.constant 20 : i32
    %dma_start3A_625 = arith.constant 20 : i32
    %dma_start3A_626 = arith.constant 0 : i32
    %dma_start3A_627 = tpu.memref_slice %arg5[%dma_start3A_625, %dma_start3A_626] : memref<26x128xi32, #tpu.memory_space<vmem>> -> memref<1x128xi32, #tpu.memory_space<vmem>>
    %dma_start3A_628 = tpu.memref_squeeze %dma_start3A_627 : memref<1x128xi32, #tpu.memory_space<vmem>> -> memref<128xi32, #tpu.memory_space<vmem>>
    %dma_start3A_629 = arith.constant 0 : i32
    %dma_start3A_630 = arith.constant 0 : i32
    %dma_start3A_631 = tpu.memref_slice %arg2[%dma_start3A_624, %dma_start3A_629, %dma_start3A_630] : memref<26x1001x128xf32, #tpu.memory_space<hbm>> -> memref<1x1001x128xf32, #tpu.memory_space<hbm>>
    %dma_start3A_632 = tpu.memref_squeeze %dma_start3A_631 : memref<1x1001x128xf32, #tpu.memory_space<hbm>> -> memref<1001x128xf32, #tpu.memory_space<hbm>>
    %dma_start3A_633 = arith.constant 0 : i32
    %dma_start3A_634 = arith.constant 0 : i32
    %dma_start3A_635 = tpu.memref_slice %dma_start3A_632[%dma_start3A_633, %dma_start3A_634] : memref<1001x128xf32, #tpu.memory_space<hbm>> -> memref<1001x128xf32, #tpu.memory_space<hbm>>
    tpu.enqueue_indirect_dma source(%dma_start3A_635 : memref<1001x128xf32, #tpu.memory_space<hbm>>) target(%arg12 : memref<128x128xf32, #tpu.memory_space<vmem>>) offsets(%dma_start3A_628 : memref<128xi32, #tpu.memory_space<vmem>>) semaphore(%arg19 : memref<!tpu.dma_semaphore, #tpu.memory_space<semaphore_mem>>)
    %dma_wait3A_636 = arith.constant 15 : i32
    %dma_wait3A_637 = arith.constant 15 : i32
    %dma_wait3A_638 = arith.constant 0 : i32
    %dma_wait3A_639 = tpu.memref_slice %arg5[%dma_wait3A_637, %dma_wait3A_638] : memref<26x128xi32, #tpu.memory_space<vmem>> -> memref<1x128xi32, #tpu.memory_space<vmem>>
    %dma_wait3A_640 = tpu.memref_squeeze %dma_wait3A_639 : memref<1x128xi32, #tpu.memory_space<vmem>> -> memref<128xi32, #tpu.memory_space<vmem>>
    %dma_wait3A_641 = arith.constant 0 : i32
    %dma_wait3A_642 = arith.constant 0 : i32
    %dma_wait3A_643 = tpu.memref_slice %arg2[%dma_wait3A_636, %dma_wait3A_641, %dma_wait3A_642] : memref<26x1001x128xf32, #tpu.memory_space<hbm>> -> memref<1x1001x128xf32, #tpu.memory_space<hbm>>
    %dma_wait3A_644 = tpu.memref_squeeze %dma_wait3A_643 : memref<1x1001x128xf32, #tpu.memory_space<hbm>> -> memref<1001x128xf32, #tpu.memory_space<hbm>>
    %dma_wait3A_645 = arith.constant 0 : i32
    %dma_wait3A_646 = arith.constant 0 : i32
    %dma_wait3A_647 = tpu.memref_slice %dma_wait3A_644[%dma_wait3A_645, %dma_wait3A_646] : memref<1001x128xf32, #tpu.memory_space<hbm>> -> memref<1001x128xf32, #tpu.memory_space<hbm>>
    tpu.wait_indirect_dma semaphore(%arg14 : memref<!tpu.dma_semaphore, #tpu.memory_space<semaphore_mem>>) src(%dma_wait3A_647 : memref<1001x128xf32, #tpu.memory_space<hbm>>) dst(%arg7 : memref<128x128xf32, #tpu.memory_space<vmem>>)
    %dma_start3A_648 = arith.constant 15 : i32
    %dma_start3A_649 = arith.constant 0 : i32
    %dma_start3A_650 = tpu.memref_slice %arg4[%dma_start3A_648, %mul3A_2, %dma_start3A_649] : memref<36x4096x128xf32, #tpu.memory_space<hbm>> -> memref<1x128x128xf32, #tpu.memory_space<hbm>>
    %dma_start3A_651 = tpu.memref_squeeze %dma_start3A_650 : memref<1x128x128xf32, #tpu.memory_space<hbm>> -> memref<128x128xf32, #tpu.memory_space<hbm>>
    %dma_start3A_652 = arith.constant 0 : i32
    %dma_start3A_653 = tpu.memref_slice %arg4[%dma_start3A_648, %mul3A_2, %dma_start3A_652] : memref<36x4096x128xf32, #tpu.memory_space<hbm>> -> memref<1x128x128xf32, #tpu.memory_space<hbm>>
    %dma_start3A_654 = tpu.memref_squeeze %dma_start3A_653 : memref<1x128x128xf32, #tpu.memory_space<hbm>> -> memref<128x128xf32, #tpu.memory_space<hbm>>
    tpu.enqueue_dma source(%arg7 : memref<128x128xf32, #tpu.memory_space<vmem>>) target(%dma_start3A_654 : memref<128x128xf32, #tpu.memory_space<hbm>>) target_semaphore(%arg21 : memref<!tpu.dma_semaphore, #tpu.memory_space<semaphore_mem>>)
    %dma_wait3A_655 = arith.constant 14 : i32
    %dma_wait3A_656 = arith.constant 0 : i32
    %dma_wait3A_657 = tpu.memref_slice %arg4[%dma_wait3A_655, %mul3A_2, %dma_wait3A_656] : memref<36x4096x128xf32, #tpu.memory_space<hbm>> -> memref<1x128x128xf32, #tpu.memory_space<hbm>>
    %dma_wait3A_658 = tpu.memref_squeeze %dma_wait3A_657 : memref<1x128x128xf32, #tpu.memory_space<hbm>> -> memref<128x128xf32, #tpu.memory_space<hbm>>
    %dma_wait3A_659 = arith.constant 0 : i32
    %dma_wait3A_660 = tpu.memref_slice %arg4[%dma_wait3A_655, %mul3A_2, %dma_wait3A_659] : memref<36x4096x128xf32, #tpu.memory_space<hbm>> -> memref<1x128x128xf32, #tpu.memory_space<hbm>>
    %dma_wait3A_661 = tpu.memref_squeeze %dma_wait3A_660 : memref<1x128x128xf32, #tpu.memory_space<hbm>> -> memref<128x128xf32, #tpu.memory_space<hbm>>
    tpu.wait_dma2 semaphore(%arg20 : memref<!tpu.dma_semaphore, #tpu.memory_space<semaphore_mem>>) src(%arg6 : memref<128x128xf32, #tpu.memory_space<vmem>>) dst(%dma_wait3A_661 : memref<128x128xf32, #tpu.memory_space<hbm>>)
    %dma_start3A_662 = arith.constant 21 : i32
    %dma_start3A_663 = arith.constant 21 : i32
    %dma_start3A_664 = arith.constant 0 : i32
    %dma_start3A_665 = tpu.memref_slice %arg5[%dma_start3A_663, %dma_start3A_664] : memref<26x128xi32, #tpu.memory_space<vmem>> -> memref<1x128xi32, #tpu.memory_space<vmem>>
    %dma_start3A_666 = tpu.memref_squeeze %dma_start3A_665 : memref<1x128xi32, #tpu.memory_space<vmem>> -> memref<128xi32, #tpu.memory_space<vmem>>
    %dma_start3A_667 = arith.constant 0 : i32
    %dma_start3A_668 = arith.constant 0 : i32
    %dma_start3A_669 = tpu.memref_slice %arg2[%dma_start3A_662, %dma_start3A_667, %dma_start3A_668] : memref<26x1001x128xf32, #tpu.memory_space<hbm>> -> memref<1x1001x128xf32, #tpu.memory_space<hbm>>
    %dma_start3A_670 = tpu.memref_squeeze %dma_start3A_669 : memref<1x1001x128xf32, #tpu.memory_space<hbm>> -> memref<1001x128xf32, #tpu.memory_space<hbm>>
    %dma_start3A_671 = arith.constant 0 : i32
    %dma_start3A_672 = arith.constant 0 : i32
    %dma_start3A_673 = tpu.memref_slice %dma_start3A_670[%dma_start3A_671, %dma_start3A_672] : memref<1001x128xf32, #tpu.memory_space<hbm>> -> memref<1001x128xf32, #tpu.memory_space<hbm>>
    tpu.enqueue_indirect_dma source(%dma_start3A_673 : memref<1001x128xf32, #tpu.memory_space<hbm>>) target(%arg6 : memref<128x128xf32, #tpu.memory_space<vmem>>) offsets(%dma_start3A_666 : memref<128xi32, #tpu.memory_space<vmem>>) semaphore(%arg13 : memref<!tpu.dma_semaphore, #tpu.memory_space<semaphore_mem>>)
    %dma_wait3A_674 = arith.constant 16 : i32
    %dma_wait3A_675 = arith.constant 16 : i32
    %dma_wait3A_676 = arith.constant 0 : i32
    %dma_wait3A_677 = tpu.memref_slice %arg5[%dma_wait3A_675, %dma_wait3A_676] : memref<26x128xi32, #tpu.memory_space<vmem>> -> memref<1x128xi32, #tpu.memory_space<vmem>>
    %dma_wait3A_678 = tpu.memref_squeeze %dma_wait3A_677 : memref<1x128xi32, #tpu.memory_space<vmem>> -> memref<128xi32, #tpu.memory_space<vmem>>
    %dma_wait3A_679 = arith.constant 0 : i32
    %dma_wait3A_680 = arith.constant 0 : i32
    %dma_wait3A_681 = tpu.memref_slice %arg2[%dma_wait3A_674, %dma_wait3A_679, %dma_wait3A_680] : memref<26x1001x128xf32, #tpu.memory_space<hbm>> -> memref<1x1001x128xf32, #tpu.memory_space<hbm>>
    %dma_wait3A_682 = tpu.memref_squeeze %dma_wait3A_681 : memref<1x1001x128xf32, #tpu.memory_space<hbm>> -> memref<1001x128xf32, #tpu.memory_space<hbm>>
    %dma_wait3A_683 = arith.constant 0 : i32
    %dma_wait3A_684 = arith.constant 0 : i32
    %dma_wait3A_685 = tpu.memref_slice %dma_wait3A_682[%dma_wait3A_683, %dma_wait3A_684] : memref<1001x128xf32, #tpu.memory_space<hbm>> -> memref<1001x128xf32, #tpu.memory_space<hbm>>
    tpu.wait_indirect_dma semaphore(%arg15 : memref<!tpu.dma_semaphore, #tpu.memory_space<semaphore_mem>>) src(%dma_wait3A_685 : memref<1001x128xf32, #tpu.memory_space<hbm>>) dst(%arg8 : memref<128x128xf32, #tpu.memory_space<vmem>>)
    %dma_start3A_686 = arith.constant 16 : i32
    %dma_start3A_687 = arith.constant 0 : i32
    %dma_start3A_688 = tpu.memref_slice %arg4[%dma_start3A_686, %mul3A_2, %dma_start3A_687] : memref<36x4096x128xf32, #tpu.memory_space<hbm>> -> memref<1x128x128xf32, #tpu.memory_space<hbm>>
    %dma_start3A_689 = tpu.memref_squeeze %dma_start3A_688 : memref<1x128x128xf32, #tpu.memory_space<hbm>> -> memref<128x128xf32, #tpu.memory_space<hbm>>
    %dma_start3A_690 = arith.constant 0 : i32
    %dma_start3A_691 = tpu.memref_slice %arg4[%dma_start3A_686, %mul3A_2, %dma_start3A_690] : memref<36x4096x128xf32, #tpu.memory_space<hbm>> -> memref<1x128x128xf32, #tpu.memory_space<hbm>>
    %dma_start3A_692 = tpu.memref_squeeze %dma_start3A_691 : memref<1x128x128xf32, #tpu.memory_space<hbm>> -> memref<128x128xf32, #tpu.memory_space<hbm>>
    tpu.enqueue_dma source(%arg8 : memref<128x128xf32, #tpu.memory_space<vmem>>) target(%dma_start3A_692 : memref<128x128xf32, #tpu.memory_space<hbm>>) target_semaphore(%arg22 : memref<!tpu.dma_semaphore, #tpu.memory_space<semaphore_mem>>)
    %dma_wait3A_693 = arith.constant 15 : i32
    %dma_wait3A_694 = arith.constant 0 : i32
    %dma_wait3A_695 = tpu.memref_slice %arg4[%dma_wait3A_693, %mul3A_2, %dma_wait3A_694] : memref<36x4096x128xf32, #tpu.memory_space<hbm>> -> memref<1x128x128xf32, #tpu.memory_space<hbm>>
    %dma_wait3A_696 = tpu.memref_squeeze %dma_wait3A_695 : memref<1x128x128xf32, #tpu.memory_space<hbm>> -> memref<128x128xf32, #tpu.memory_space<hbm>>
    %dma_wait3A_697 = arith.constant 0 : i32
    %dma_wait3A_698 = tpu.memref_slice %arg4[%dma_wait3A_693, %mul3A_2, %dma_wait3A_697] : memref<36x4096x128xf32, #tpu.memory_space<hbm>> -> memref<1x128x128xf32, #tpu.memory_space<hbm>>
    %dma_wait3A_699 = tpu.memref_squeeze %dma_wait3A_698 : memref<1x128x128xf32, #tpu.memory_space<hbm>> -> memref<128x128xf32, #tpu.memory_space<hbm>>
    tpu.wait_dma2 semaphore(%arg21 : memref<!tpu.dma_semaphore, #tpu.memory_space<semaphore_mem>>) src(%arg7 : memref<128x128xf32, #tpu.memory_space<vmem>>) dst(%dma_wait3A_699 : memref<128x128xf32, #tpu.memory_space<hbm>>)
    %dma_start3A_700 = arith.constant 22 : i32
    %dma_start3A_701 = arith.constant 22 : i32
    %dma_start3A_702 = arith.constant 0 : i32
    %dma_start3A_703 = tpu.memref_slice %arg5[%dma_start3A_701, %dma_start3A_702] : memref<26x128xi32, #tpu.memory_space<vmem>> -> memref<1x128xi32, #tpu.memory_space<vmem>>
    %dma_start3A_704 = tpu.memref_squeeze %dma_start3A_703 : memref<1x128xi32, #tpu.memory_space<vmem>> -> memref<128xi32, #tpu.memory_space<vmem>>
    %dma_start3A_705 = arith.constant 0 : i32
    %dma_start3A_706 = arith.constant 0 : i32
    %dma_start3A_707 = tpu.memref_slice %arg2[%dma_start3A_700, %dma_start3A_705, %dma_start3A_706] : memref<26x1001x128xf32, #tpu.memory_space<hbm>> -> memref<1x1001x128xf32, #tpu.memory_space<hbm>>
    %dma_start3A_708 = tpu.memref_squeeze %dma_start3A_707 : memref<1x1001x128xf32, #tpu.memory_space<hbm>> -> memref<1001x128xf32, #tpu.memory_space<hbm>>
    %dma_start3A_709 = arith.constant 0 : i32
    %dma_start3A_710 = arith.constant 0 : i32
    %dma_start3A_711 = tpu.memref_slice %dma_start3A_708[%dma_start3A_709, %dma_start3A_710] : memref<1001x128xf32, #tpu.memory_space<hbm>> -> memref<1001x128xf32, #tpu.memory_space<hbm>>
    tpu.enqueue_indirect_dma source(%dma_start3A_711 : memref<1001x128xf32, #tpu.memory_space<hbm>>) target(%arg7 : memref<128x128xf32, #tpu.memory_space<vmem>>) offsets(%dma_start3A_704 : memref<128xi32, #tpu.memory_space<vmem>>) semaphore(%arg14 : memref<!tpu.dma_semaphore, #tpu.memory_space<semaphore_mem>>)
    %dma_wait3A_712 = arith.constant 17 : i32
    %dma_wait3A_713 = arith.constant 17 : i32
    %dma_wait3A_714 = arith.constant 0 : i32
    %dma_wait3A_715 = tpu.memref_slice %arg5[%dma_wait3A_713, %dma_wait3A_714] : memref<26x128xi32, #tpu.memory_space<vmem>> -> memref<1x128xi32, #tpu.memory_space<vmem>>
    %dma_wait3A_716 = tpu.memref_squeeze %dma_wait3A_715 : memref<1x128xi32, #tpu.memory_space<vmem>> -> memref<128xi32, #tpu.memory_space<vmem>>
    %dma_wait3A_717 = arith.constant 0 : i32
    %dma_wait3A_718 = arith.constant 0 : i32
    %dma_wait3A_719 = tpu.memref_slice %arg2[%dma_wait3A_712, %dma_wait3A_717, %dma_wait3A_718] : memref<26x1001x128xf32, #tpu.memory_space<hbm>> -> memref<1x1001x128xf32, #tpu.memory_space<hbm>>
    %dma_wait3A_720 = tpu.memref_squeeze %dma_wait3A_719 : memref<1x1001x128xf32, #tpu.memory_space<hbm>> -> memref<1001x128xf32, #tpu.memory_space<hbm>>
    %dma_wait3A_721 = arith.constant 0 : i32
    %dma_wait3A_722 = arith.constant 0 : i32
    %dma_wait3A_723 = tpu.memref_slice %dma_wait3A_720[%dma_wait3A_721, %dma_wait3A_722] : memref<1001x128xf32, #tpu.memory_space<hbm>> -> memref<1001x128xf32, #tpu.memory_space<hbm>>
    tpu.wait_indirect_dma semaphore(%arg16 : memref<!tpu.dma_semaphore, #tpu.memory_space<semaphore_mem>>) src(%dma_wait3A_723 : memref<1001x128xf32, #tpu.memory_space<hbm>>) dst(%arg9 : memref<128x128xf32, #tpu.memory_space<vmem>>)
    %dma_start3A_724 = arith.constant 17 : i32
    %dma_start3A_725 = arith.constant 0 : i32
    %dma_start3A_726 = tpu.memref_slice %arg4[%dma_start3A_724, %mul3A_2, %dma_start3A_725] : memref<36x4096x128xf32, #tpu.memory_space<hbm>> -> memref<1x128x128xf32, #tpu.memory_space<hbm>>
    %dma_start3A_727 = tpu.memref_squeeze %dma_start3A_726 : memref<1x128x128xf32, #tpu.memory_space<hbm>> -> memref<128x128xf32, #tpu.memory_space<hbm>>
    %dma_start3A_728 = arith.constant 0 : i32
    %dma_start3A_729 = tpu.memref_slice %arg4[%dma_start3A_724, %mul3A_2, %dma_start3A_728] : memref<36x4096x128xf32, #tpu.memory_space<hbm>> -> memref<1x128x128xf32, #tpu.memory_space<hbm>>
    %dma_start3A_730 = tpu.memref_squeeze %dma_start3A_729 : memref<1x128x128xf32, #tpu.memory_space<hbm>> -> memref<128x128xf32, #tpu.memory_space<hbm>>
    tpu.enqueue_dma source(%arg9 : memref<128x128xf32, #tpu.memory_space<vmem>>) target(%dma_start3A_730 : memref<128x128xf32, #tpu.memory_space<hbm>>) target_semaphore(%arg23 : memref<!tpu.dma_semaphore, #tpu.memory_space<semaphore_mem>>)
    %dma_wait3A_731 = arith.constant 16 : i32
    %dma_wait3A_732 = arith.constant 0 : i32
    %dma_wait3A_733 = tpu.memref_slice %arg4[%dma_wait3A_731, %mul3A_2, %dma_wait3A_732] : memref<36x4096x128xf32, #tpu.memory_space<hbm>> -> memref<1x128x128xf32, #tpu.memory_space<hbm>>
    %dma_wait3A_734 = tpu.memref_squeeze %dma_wait3A_733 : memref<1x128x128xf32, #tpu.memory_space<hbm>> -> memref<128x128xf32, #tpu.memory_space<hbm>>
    %dma_wait3A_735 = arith.constant 0 : i32
    %dma_wait3A_736 = tpu.memref_slice %arg4[%dma_wait3A_731, %mul3A_2, %dma_wait3A_735] : memref<36x4096x128xf32, #tpu.memory_space<hbm>> -> memref<1x128x128xf32, #tpu.memory_space<hbm>>
    %dma_wait3A_737 = tpu.memref_squeeze %dma_wait3A_736 : memref<1x128x128xf32, #tpu.memory_space<hbm>> -> memref<128x128xf32, #tpu.memory_space<hbm>>
    tpu.wait_dma2 semaphore(%arg22 : memref<!tpu.dma_semaphore, #tpu.memory_space<semaphore_mem>>) src(%arg8 : memref<128x128xf32, #tpu.memory_space<vmem>>) dst(%dma_wait3A_737 : memref<128x128xf32, #tpu.memory_space<hbm>>)
    %dma_start3A_738 = arith.constant 23 : i32
    %dma_start3A_739 = arith.constant 23 : i32
    %dma_start3A_740 = arith.constant 0 : i32
    %dma_start3A_741 = tpu.memref_slice %arg5[%dma_start3A_739, %dma_start3A_740] : memref<26x128xi32, #tpu.memory_space<vmem>> -> memref<1x128xi32, #tpu.memory_space<vmem>>
    %dma_start3A_742 = tpu.memref_squeeze %dma_start3A_741 : memref<1x128xi32, #tpu.memory_space<vmem>> -> memref<128xi32, #tpu.memory_space<vmem>>
    %dma_start3A_743 = arith.constant 0 : i32
    %dma_start3A_744 = arith.constant 0 : i32
    %dma_start3A_745 = tpu.memref_slice %arg2[%dma_start3A_738, %dma_start3A_743, %dma_start3A_744] : memref<26x1001x128xf32, #tpu.memory_space<hbm>> -> memref<1x1001x128xf32, #tpu.memory_space<hbm>>
    %dma_start3A_746 = tpu.memref_squeeze %dma_start3A_745 : memref<1x1001x128xf32, #tpu.memory_space<hbm>> -> memref<1001x128xf32, #tpu.memory_space<hbm>>
    %dma_start3A_747 = arith.constant 0 : i32
    %dma_start3A_748 = arith.constant 0 : i32
    %dma_start3A_749 = tpu.memref_slice %dma_start3A_746[%dma_start3A_747, %dma_start3A_748] : memref<1001x128xf32, #tpu.memory_space<hbm>> -> memref<1001x128xf32, #tpu.memory_space<hbm>>
    tpu.enqueue_indirect_dma source(%dma_start3A_749 : memref<1001x128xf32, #tpu.memory_space<hbm>>) target(%arg8 : memref<128x128xf32, #tpu.memory_space<vmem>>) offsets(%dma_start3A_742 : memref<128xi32, #tpu.memory_space<vmem>>) semaphore(%arg15 : memref<!tpu.dma_semaphore, #tpu.memory_space<semaphore_mem>>)
    %dma_wait3A_750 = arith.constant 18 : i32
    %dma_wait3A_751 = arith.constant 18 : i32
    %dma_wait3A_752 = arith.constant 0 : i32
    %dma_wait3A_753 = tpu.memref_slice %arg5[%dma_wait3A_751, %dma_wait3A_752] : memref<26x128xi32, #tpu.memory_space<vmem>> -> memref<1x128xi32, #tpu.memory_space<vmem>>
    %dma_wait3A_754 = tpu.memref_squeeze %dma_wait3A_753 : memref<1x128xi32, #tpu.memory_space<vmem>> -> memref<128xi32, #tpu.memory_space<vmem>>
    %dma_wait3A_755 = arith.constant 0 : i32
    %dma_wait3A_756 = arith.constant 0 : i32
    %dma_wait3A_757 = tpu.memref_slice %arg2[%dma_wait3A_750, %dma_wait3A_755, %dma_wait3A_756] : memref<26x1001x128xf32, #tpu.memory_space<hbm>> -> memref<1x1001x128xf32, #tpu.memory_space<hbm>>
    %dma_wait3A_758 = tpu.memref_squeeze %dma_wait3A_757 : memref<1x1001x128xf32, #tpu.memory_space<hbm>> -> memref<1001x128xf32, #tpu.memory_space<hbm>>
    %dma_wait3A_759 = arith.constant 0 : i32
    %dma_wait3A_760 = arith.constant 0 : i32
    %dma_wait3A_761 = tpu.memref_slice %dma_wait3A_758[%dma_wait3A_759, %dma_wait3A_760] : memref<1001x128xf32, #tpu.memory_space<hbm>> -> memref<1001x128xf32, #tpu.memory_space<hbm>>
    tpu.wait_indirect_dma semaphore(%arg17 : memref<!tpu.dma_semaphore, #tpu.memory_space<semaphore_mem>>) src(%dma_wait3A_761 : memref<1001x128xf32, #tpu.memory_space<hbm>>) dst(%arg10 : memref<128x128xf32, #tpu.memory_space<vmem>>)
    %dma_start3A_762 = arith.constant 18 : i32
    %dma_start3A_763 = arith.constant 0 : i32
    %dma_start3A_764 = tpu.memref_slice %arg4[%dma_start3A_762, %mul3A_2, %dma_start3A_763] : memref<36x4096x128xf32, #tpu.memory_space<hbm>> -> memref<1x128x128xf32, #tpu.memory_space<hbm>>
    %dma_start3A_765 = tpu.memref_squeeze %dma_start3A_764 : memref<1x128x128xf32, #tpu.memory_space<hbm>> -> memref<128x128xf32, #tpu.memory_space<hbm>>
    %dma_start3A_766 = arith.constant 0 : i32
    %dma_start3A_767 = tpu.memref_slice %arg4[%dma_start3A_762, %mul3A_2, %dma_start3A_766] : memref<36x4096x128xf32, #tpu.memory_space<hbm>> -> memref<1x128x128xf32, #tpu.memory_space<hbm>>
    %dma_start3A_768 = tpu.memref_squeeze %dma_start3A_767 : memref<1x128x128xf32, #tpu.memory_space<hbm>> -> memref<128x128xf32, #tpu.memory_space<hbm>>
    tpu.enqueue_dma source(%arg10 : memref<128x128xf32, #tpu.memory_space<vmem>>) target(%dma_start3A_768 : memref<128x128xf32, #tpu.memory_space<hbm>>) target_semaphore(%arg24 : memref<!tpu.dma_semaphore, #tpu.memory_space<semaphore_mem>>)
    %dma_wait3A_769 = arith.constant 17 : i32
    %dma_wait3A_770 = arith.constant 0 : i32
    %dma_wait3A_771 = tpu.memref_slice %arg4[%dma_wait3A_769, %mul3A_2, %dma_wait3A_770] : memref<36x4096x128xf32, #tpu.memory_space<hbm>> -> memref<1x128x128xf32, #tpu.memory_space<hbm>>
    %dma_wait3A_772 = tpu.memref_squeeze %dma_wait3A_771 : memref<1x128x128xf32, #tpu.memory_space<hbm>> -> memref<128x128xf32, #tpu.memory_space<hbm>>
    %dma_wait3A_773 = arith.constant 0 : i32
    %dma_wait3A_774 = tpu.memref_slice %arg4[%dma_wait3A_769, %mul3A_2, %dma_wait3A_773] : memref<36x4096x128xf32, #tpu.memory_space<hbm>> -> memref<1x128x128xf32, #tpu.memory_space<hbm>>
    %dma_wait3A_775 = tpu.memref_squeeze %dma_wait3A_774 : memref<1x128x128xf32, #tpu.memory_space<hbm>> -> memref<128x128xf32, #tpu.memory_space<hbm>>
    tpu.wait_dma2 semaphore(%arg23 : memref<!tpu.dma_semaphore, #tpu.memory_space<semaphore_mem>>) src(%arg9 : memref<128x128xf32, #tpu.memory_space<vmem>>) dst(%dma_wait3A_775 : memref<128x128xf32, #tpu.memory_space<hbm>>)
    %dma_start3A_776 = arith.constant 24 : i32
    %dma_start3A_777 = arith.constant 24 : i32
    %dma_start3A_778 = arith.constant 0 : i32
    %dma_start3A_779 = tpu.memref_slice %arg5[%dma_start3A_777, %dma_start3A_778] : memref<26x128xi32, #tpu.memory_space<vmem>> -> memref<1x128xi32, #tpu.memory_space<vmem>>
    %dma_start3A_780 = tpu.memref_squeeze %dma_start3A_779 : memref<1x128xi32, #tpu.memory_space<vmem>> -> memref<128xi32, #tpu.memory_space<vmem>>
    %dma_start3A_781 = arith.constant 0 : i32
    %dma_start3A_782 = arith.constant 0 : i32
    %dma_start3A_783 = tpu.memref_slice %arg2[%dma_start3A_776, %dma_start3A_781, %dma_start3A_782] : memref<26x1001x128xf32, #tpu.memory_space<hbm>> -> memref<1x1001x128xf32, #tpu.memory_space<hbm>>
    %dma_start3A_784 = tpu.memref_squeeze %dma_start3A_783 : memref<1x1001x128xf32, #tpu.memory_space<hbm>> -> memref<1001x128xf32, #tpu.memory_space<hbm>>
    %dma_start3A_785 = arith.constant 0 : i32
    %dma_start3A_786 = arith.constant 0 : i32
    %dma_start3A_787 = tpu.memref_slice %dma_start3A_784[%dma_start3A_785, %dma_start3A_786] : memref<1001x128xf32, #tpu.memory_space<hbm>> -> memref<1001x128xf32, #tpu.memory_space<hbm>>
    tpu.enqueue_indirect_dma source(%dma_start3A_787 : memref<1001x128xf32, #tpu.memory_space<hbm>>) target(%arg9 : memref<128x128xf32, #tpu.memory_space<vmem>>) offsets(%dma_start3A_780 : memref<128xi32, #tpu.memory_space<vmem>>) semaphore(%arg16 : memref<!tpu.dma_semaphore, #tpu.memory_space<semaphore_mem>>)
    %dma_wait3A_788 = arith.constant 19 : i32
    %dma_wait3A_789 = arith.constant 19 : i32
    %dma_wait3A_790 = arith.constant 0 : i32
    %dma_wait3A_791 = tpu.memref_slice %arg5[%dma_wait3A_789, %dma_wait3A_790] : memref<26x128xi32, #tpu.memory_space<vmem>> -> memref<1x128xi32, #tpu.memory_space<vmem>>
    %dma_wait3A_792 = tpu.memref_squeeze %dma_wait3A_791 : memref<1x128xi32, #tpu.memory_space<vmem>> -> memref<128xi32, #tpu.memory_space<vmem>>
    %dma_wait3A_793 = arith.constant 0 : i32
    %dma_wait3A_794 = arith.constant 0 : i32
    %dma_wait3A_795 = tpu.memref_slice %arg2[%dma_wait3A_788, %dma_wait3A_793, %dma_wait3A_794] : memref<26x1001x128xf32, #tpu.memory_space<hbm>> -> memref<1x1001x128xf32, #tpu.memory_space<hbm>>
    %dma_wait3A_796 = tpu.memref_squeeze %dma_wait3A_795 : memref<1x1001x128xf32, #tpu.memory_space<hbm>> -> memref<1001x128xf32, #tpu.memory_space<hbm>>
    %dma_wait3A_797 = arith.constant 0 : i32
    %dma_wait3A_798 = arith.constant 0 : i32
    %dma_wait3A_799 = tpu.memref_slice %dma_wait3A_796[%dma_wait3A_797, %dma_wait3A_798] : memref<1001x128xf32, #tpu.memory_space<hbm>> -> memref<1001x128xf32, #tpu.memory_space<hbm>>
    tpu.wait_indirect_dma semaphore(%arg18 : memref<!tpu.dma_semaphore, #tpu.memory_space<semaphore_mem>>) src(%dma_wait3A_799 : memref<1001x128xf32, #tpu.memory_space<hbm>>) dst(%arg11 : memref<128x128xf32, #tpu.memory_space<vmem>>)
    %dma_start3A_800 = arith.constant 19 : i32
    %dma_start3A_801 = arith.constant 0 : i32
    %dma_start3A_802 = tpu.memref_slice %arg4[%dma_start3A_800, %mul3A_2, %dma_start3A_801] : memref<36x4096x128xf32, #tpu.memory_space<hbm>> -> memref<1x128x128xf32, #tpu.memory_space<hbm>>
    %dma_start3A_803 = tpu.memref_squeeze %dma_start3A_802 : memref<1x128x128xf32, #tpu.memory_space<hbm>> -> memref<128x128xf32, #tpu.memory_space<hbm>>
    %dma_start3A_804 = arith.constant 0 : i32
    %dma_start3A_805 = tpu.memref_slice %arg4[%dma_start3A_800, %mul3A_2, %dma_start3A_804] : memref<36x4096x128xf32, #tpu.memory_space<hbm>> -> memref<1x128x128xf32, #tpu.memory_space<hbm>>
    %dma_start3A_806 = tpu.memref_squeeze %dma_start3A_805 : memref<1x128x128xf32, #tpu.memory_space<hbm>> -> memref<128x128xf32, #tpu.memory_space<hbm>>
    tpu.enqueue_dma source(%arg11 : memref<128x128xf32, #tpu.memory_space<vmem>>) target(%dma_start3A_806 : memref<128x128xf32, #tpu.memory_space<hbm>>) target_semaphore(%arg25 : memref<!tpu.dma_semaphore, #tpu.memory_space<semaphore_mem>>)
    %dma_wait3A_807 = arith.constant 18 : i32
    %dma_wait3A_808 = arith.constant 0 : i32
    %dma_wait3A_809 = tpu.memref_slice %arg4[%dma_wait3A_807, %mul3A_2, %dma_wait3A_808] : memref<36x4096x128xf32, #tpu.memory_space<hbm>> -> memref<1x128x128xf32, #tpu.memory_space<hbm>>
    %dma_wait3A_810 = tpu.memref_squeeze %dma_wait3A_809 : memref<1x128x128xf32, #tpu.memory_space<hbm>> -> memref<128x128xf32, #tpu.memory_space<hbm>>
    %dma_wait3A_811 = arith.constant 0 : i32
    %dma_wait3A_812 = tpu.memref_slice %arg4[%dma_wait3A_807, %mul3A_2, %dma_wait3A_811] : memref<36x4096x128xf32, #tpu.memory_space<hbm>> -> memref<1x128x128xf32, #tpu.memory_space<hbm>>
    %dma_wait3A_813 = tpu.memref_squeeze %dma_wait3A_812 : memref<1x128x128xf32, #tpu.memory_space<hbm>> -> memref<128x128xf32, #tpu.memory_space<hbm>>
    tpu.wait_dma2 semaphore(%arg24 : memref<!tpu.dma_semaphore, #tpu.memory_space<semaphore_mem>>) src(%arg10 : memref<128x128xf32, #tpu.memory_space<vmem>>) dst(%dma_wait3A_813 : memref<128x128xf32, #tpu.memory_space<hbm>>)
    %dma_start3A_814 = arith.constant 25 : i32
    %dma_start3A_815 = arith.constant 25 : i32
    %dma_start3A_816 = arith.constant 0 : i32
    %dma_start3A_817 = tpu.memref_slice %arg5[%dma_start3A_815, %dma_start3A_816] : memref<26x128xi32, #tpu.memory_space<vmem>> -> memref<1x128xi32, #tpu.memory_space<vmem>>
    %dma_start3A_818 = tpu.memref_squeeze %dma_start3A_817 : memref<1x128xi32, #tpu.memory_space<vmem>> -> memref<128xi32, #tpu.memory_space<vmem>>
    %dma_start3A_819 = arith.constant 0 : i32
    %dma_start3A_820 = arith.constant 0 : i32
    %dma_start3A_821 = tpu.memref_slice %arg2[%dma_start3A_814, %dma_start3A_819, %dma_start3A_820] : memref<26x1001x128xf32, #tpu.memory_space<hbm>> -> memref<1x1001x128xf32, #tpu.memory_space<hbm>>
    %dma_start3A_822 = tpu.memref_squeeze %dma_start3A_821 : memref<1x1001x128xf32, #tpu.memory_space<hbm>> -> memref<1001x128xf32, #tpu.memory_space<hbm>>
    %dma_start3A_823 = arith.constant 0 : i32
    %dma_start3A_824 = arith.constant 0 : i32
    %dma_start3A_825 = tpu.memref_slice %dma_start3A_822[%dma_start3A_823, %dma_start3A_824] : memref<1001x128xf32, #tpu.memory_space<hbm>> -> memref<1001x128xf32, #tpu.memory_space<hbm>>
    tpu.enqueue_indirect_dma source(%dma_start3A_825 : memref<1001x128xf32, #tpu.memory_space<hbm>>) target(%arg10 : memref<128x128xf32, #tpu.memory_space<vmem>>) offsets(%dma_start3A_818 : memref<128xi32, #tpu.memory_space<vmem>>) semaphore(%arg17 : memref<!tpu.dma_semaphore, #tpu.memory_space<semaphore_mem>>)
    %dma_wait3A_826 = arith.constant 20 : i32
    %dma_wait3A_827 = arith.constant 20 : i32
    %dma_wait3A_828 = arith.constant 0 : i32
    %dma_wait3A_829 = tpu.memref_slice %arg5[%dma_wait3A_827, %dma_wait3A_828] : memref<26x128xi32, #tpu.memory_space<vmem>> -> memref<1x128xi32, #tpu.memory_space<vmem>>
    %dma_wait3A_830 = tpu.memref_squeeze %dma_wait3A_829 : memref<1x128xi32, #tpu.memory_space<vmem>> -> memref<128xi32, #tpu.memory_space<vmem>>
    %dma_wait3A_831 = arith.constant 0 : i32
    %dma_wait3A_832 = arith.constant 0 : i32
    %dma_wait3A_833 = tpu.memref_slice %arg2[%dma_wait3A_826, %dma_wait3A_831, %dma_wait3A_832] : memref<26x1001x128xf32, #tpu.memory_space<hbm>> -> memref<1x1001x128xf32, #tpu.memory_space<hbm>>
    %dma_wait3A_834 = tpu.memref_squeeze %dma_wait3A_833 : memref<1x1001x128xf32, #tpu.memory_space<hbm>> -> memref<1001x128xf32, #tpu.memory_space<hbm>>
    %dma_wait3A_835 = arith.constant 0 : i32
    %dma_wait3A_836 = arith.constant 0 : i32
    %dma_wait3A_837 = tpu.memref_slice %dma_wait3A_834[%dma_wait3A_835, %dma_wait3A_836] : memref<1001x128xf32, #tpu.memory_space<hbm>> -> memref<1001x128xf32, #tpu.memory_space<hbm>>
    tpu.wait_indirect_dma semaphore(%arg19 : memref<!tpu.dma_semaphore, #tpu.memory_space<semaphore_mem>>) src(%dma_wait3A_837 : memref<1001x128xf32, #tpu.memory_space<hbm>>) dst(%arg12 : memref<128x128xf32, #tpu.memory_space<vmem>>)
    %dma_start3A_838 = arith.constant 20 : i32
    %dma_start3A_839 = arith.constant 0 : i32
    %dma_start3A_840 = tpu.memref_slice %arg4[%dma_start3A_838, %mul3A_2, %dma_start3A_839] : memref<36x4096x128xf32, #tpu.memory_space<hbm>> -> memref<1x128x128xf32, #tpu.memory_space<hbm>>
    %dma_start3A_841 = tpu.memref_squeeze %dma_start3A_840 : memref<1x128x128xf32, #tpu.memory_space<hbm>> -> memref<128x128xf32, #tpu.memory_space<hbm>>
    %dma_start3A_842 = arith.constant 0 : i32
    %dma_start3A_843 = tpu.memref_slice %arg4[%dma_start3A_838, %mul3A_2, %dma_start3A_842] : memref<36x4096x128xf32, #tpu.memory_space<hbm>> -> memref<1x128x128xf32, #tpu.memory_space<hbm>>
    %dma_start3A_844 = tpu.memref_squeeze %dma_start3A_843 : memref<1x128x128xf32, #tpu.memory_space<hbm>> -> memref<128x128xf32, #tpu.memory_space<hbm>>
    tpu.enqueue_dma source(%arg12 : memref<128x128xf32, #tpu.memory_space<vmem>>) target(%dma_start3A_844 : memref<128x128xf32, #tpu.memory_space<hbm>>) target_semaphore(%arg26 : memref<!tpu.dma_semaphore, #tpu.memory_space<semaphore_mem>>)
    %dma_wait3A_845 = arith.constant 21 : i32
    %dma_wait3A_846 = arith.constant 21 : i32
    %dma_wait3A_847 = arith.constant 0 : i32
    %dma_wait3A_848 = tpu.memref_slice %arg5[%dma_wait3A_846, %dma_wait3A_847] : memref<26x128xi32, #tpu.memory_space<vmem>> -> memref<1x128xi32, #tpu.memory_space<vmem>>
    %dma_wait3A_849 = tpu.memref_squeeze %dma_wait3A_848 : memref<1x128xi32, #tpu.memory_space<vmem>> -> memref<128xi32, #tpu.memory_space<vmem>>
    %dma_wait3A_850 = arith.constant 0 : i32
    %dma_wait3A_851 = arith.constant 0 : i32
    %dma_wait3A_852 = tpu.memref_slice %arg2[%dma_wait3A_845, %dma_wait3A_850, %dma_wait3A_851] : memref<26x1001x128xf32, #tpu.memory_space<hbm>> -> memref<1x1001x128xf32, #tpu.memory_space<hbm>>
    %dma_wait3A_853 = tpu.memref_squeeze %dma_wait3A_852 : memref<1x1001x128xf32, #tpu.memory_space<hbm>> -> memref<1001x128xf32, #tpu.memory_space<hbm>>
    %dma_wait3A_854 = arith.constant 0 : i32
    %dma_wait3A_855 = arith.constant 0 : i32
    %dma_wait3A_856 = tpu.memref_slice %dma_wait3A_853[%dma_wait3A_854, %dma_wait3A_855] : memref<1001x128xf32, #tpu.memory_space<hbm>> -> memref<1001x128xf32, #tpu.memory_space<hbm>>
    tpu.wait_indirect_dma semaphore(%arg13 : memref<!tpu.dma_semaphore, #tpu.memory_space<semaphore_mem>>) src(%dma_wait3A_856 : memref<1001x128xf32, #tpu.memory_space<hbm>>) dst(%arg6 : memref<128x128xf32, #tpu.memory_space<vmem>>)
    %dma_start3A_857 = arith.constant 21 : i32
    %dma_start3A_858 = arith.constant 0 : i32
    %dma_start3A_859 = tpu.memref_slice %arg4[%dma_start3A_857, %mul3A_2, %dma_start3A_858] : memref<36x4096x128xf32, #tpu.memory_space<hbm>> -> memref<1x128x128xf32, #tpu.memory_space<hbm>>
    %dma_start3A_860 = tpu.memref_squeeze %dma_start3A_859 : memref<1x128x128xf32, #tpu.memory_space<hbm>> -> memref<128x128xf32, #tpu.memory_space<hbm>>
    %dma_start3A_861 = arith.constant 0 : i32
    %dma_start3A_862 = tpu.memref_slice %arg4[%dma_start3A_857, %mul3A_2, %dma_start3A_861] : memref<36x4096x128xf32, #tpu.memory_space<hbm>> -> memref<1x128x128xf32, #tpu.memory_space<hbm>>
    %dma_start3A_863 = tpu.memref_squeeze %dma_start3A_862 : memref<1x128x128xf32, #tpu.memory_space<hbm>> -> memref<128x128xf32, #tpu.memory_space<hbm>>
    tpu.enqueue_dma source(%arg6 : memref<128x128xf32, #tpu.memory_space<vmem>>) target(%dma_start3A_863 : memref<128x128xf32, #tpu.memory_space<hbm>>) target_semaphore(%arg20 : memref<!tpu.dma_semaphore, #tpu.memory_space<semaphore_mem>>)
    %dma_wait3A_864 = arith.constant 22 : i32
    %dma_wait3A_865 = arith.constant 22 : i32
    %dma_wait3A_866 = arith.constant 0 : i32
    %dma_wait3A_867 = tpu.memref_slice %arg5[%dma_wait3A_865, %dma_wait3A_866] : memref<26x128xi32, #tpu.memory_space<vmem>> -> memref<1x128xi32, #tpu.memory_space<vmem>>
    %dma_wait3A_868 = tpu.memref_squeeze %dma_wait3A_867 : memref<1x128xi32, #tpu.memory_space<vmem>> -> memref<128xi32, #tpu.memory_space<vmem>>
    %dma_wait3A_869 = arith.constant 0 : i32
    %dma_wait3A_870 = arith.constant 0 : i32
    %dma_wait3A_871 = tpu.memref_slice %arg2[%dma_wait3A_864, %dma_wait3A_869, %dma_wait3A_870] : memref<26x1001x128xf32, #tpu.memory_space<hbm>> -> memref<1x1001x128xf32, #tpu.memory_space<hbm>>
    %dma_wait3A_872 = tpu.memref_squeeze %dma_wait3A_871 : memref<1x1001x128xf32, #tpu.memory_space<hbm>> -> memref<1001x128xf32, #tpu.memory_space<hbm>>
    %dma_wait3A_873 = arith.constant 0 : i32
    %dma_wait3A_874 = arith.constant 0 : i32
    %dma_wait3A_875 = tpu.memref_slice %dma_wait3A_872[%dma_wait3A_873, %dma_wait3A_874] : memref<1001x128xf32, #tpu.memory_space<hbm>> -> memref<1001x128xf32, #tpu.memory_space<hbm>>
    tpu.wait_indirect_dma semaphore(%arg14 : memref<!tpu.dma_semaphore, #tpu.memory_space<semaphore_mem>>) src(%dma_wait3A_875 : memref<1001x128xf32, #tpu.memory_space<hbm>>) dst(%arg7 : memref<128x128xf32, #tpu.memory_space<vmem>>)
    %dma_start3A_876 = arith.constant 22 : i32
    %dma_start3A_877 = arith.constant 0 : i32
    %dma_start3A_878 = tpu.memref_slice %arg4[%dma_start3A_876, %mul3A_2, %dma_start3A_877] : memref<36x4096x128xf32, #tpu.memory_space<hbm>> -> memref<1x128x128xf32, #tpu.memory_space<hbm>>
    %dma_start3A_879 = tpu.memref_squeeze %dma_start3A_878 : memref<1x128x128xf32, #tpu.memory_space<hbm>> -> memref<128x128xf32, #tpu.memory_space<hbm>>
    %dma_start3A_880 = arith.constant 0 : i32
    %dma_start3A_881 = tpu.memref_slice %arg4[%dma_start3A_876, %mul3A_2, %dma_start3A_880] : memref<36x4096x128xf32, #tpu.memory_space<hbm>> -> memref<1x128x128xf32, #tpu.memory_space<hbm>>
    %dma_start3A_882 = tpu.memref_squeeze %dma_start3A_881 : memref<1x128x128xf32, #tpu.memory_space<hbm>> -> memref<128x128xf32, #tpu.memory_space<hbm>>
    tpu.enqueue_dma source(%arg7 : memref<128x128xf32, #tpu.memory_space<vmem>>) target(%dma_start3A_882 : memref<128x128xf32, #tpu.memory_space<hbm>>) target_semaphore(%arg21 : memref<!tpu.dma_semaphore, #tpu.memory_space<semaphore_mem>>)
    %dma_wait3A_883 = arith.constant 23 : i32
    %dma_wait3A_884 = arith.constant 23 : i32
    %dma_wait3A_885 = arith.constant 0 : i32
    %dma_wait3A_886 = tpu.memref_slice %arg5[%dma_wait3A_884, %dma_wait3A_885] : memref<26x128xi32, #tpu.memory_space<vmem>> -> memref<1x128xi32, #tpu.memory_space<vmem>>
    %dma_wait3A_887 = tpu.memref_squeeze %dma_wait3A_886 : memref<1x128xi32, #tpu.memory_space<vmem>> -> memref<128xi32, #tpu.memory_space<vmem>>
    %dma_wait3A_888 = arith.constant 0 : i32
    %dma_wait3A_889 = arith.constant 0 : i32
    %dma_wait3A_890 = tpu.memref_slice %arg2[%dma_wait3A_883, %dma_wait3A_888, %dma_wait3A_889] : memref<26x1001x128xf32, #tpu.memory_space<hbm>> -> memref<1x1001x128xf32, #tpu.memory_space<hbm>>
    %dma_wait3A_891 = tpu.memref_squeeze %dma_wait3A_890 : memref<1x1001x128xf32, #tpu.memory_space<hbm>> -> memref<1001x128xf32, #tpu.memory_space<hbm>>
    %dma_wait3A_892 = arith.constant 0 : i32
    %dma_wait3A_893 = arith.constant 0 : i32
    %dma_wait3A_894 = tpu.memref_slice %dma_wait3A_891[%dma_wait3A_892, %dma_wait3A_893] : memref<1001x128xf32, #tpu.memory_space<hbm>> -> memref<1001x128xf32, #tpu.memory_space<hbm>>
    tpu.wait_indirect_dma semaphore(%arg15 : memref<!tpu.dma_semaphore, #tpu.memory_space<semaphore_mem>>) src(%dma_wait3A_894 : memref<1001x128xf32, #tpu.memory_space<hbm>>) dst(%arg8 : memref<128x128xf32, #tpu.memory_space<vmem>>)
    %dma_start3A_895 = arith.constant 23 : i32
    %dma_start3A_896 = arith.constant 0 : i32
    %dma_start3A_897 = tpu.memref_slice %arg4[%dma_start3A_895, %mul3A_2, %dma_start3A_896] : memref<36x4096x128xf32, #tpu.memory_space<hbm>> -> memref<1x128x128xf32, #tpu.memory_space<hbm>>
    %dma_start3A_898 = tpu.memref_squeeze %dma_start3A_897 : memref<1x128x128xf32, #tpu.memory_space<hbm>> -> memref<128x128xf32, #tpu.memory_space<hbm>>
    %dma_start3A_899 = arith.constant 0 : i32
    %dma_start3A_900 = tpu.memref_slice %arg4[%dma_start3A_895, %mul3A_2, %dma_start3A_899] : memref<36x4096x128xf32, #tpu.memory_space<hbm>> -> memref<1x128x128xf32, #tpu.memory_space<hbm>>
    %dma_start3A_901 = tpu.memref_squeeze %dma_start3A_900 : memref<1x128x128xf32, #tpu.memory_space<hbm>> -> memref<128x128xf32, #tpu.memory_space<hbm>>
    tpu.enqueue_dma source(%arg8 : memref<128x128xf32, #tpu.memory_space<vmem>>) target(%dma_start3A_901 : memref<128x128xf32, #tpu.memory_space<hbm>>) target_semaphore(%arg22 : memref<!tpu.dma_semaphore, #tpu.memory_space<semaphore_mem>>)
    %dma_wait3A_902 = arith.constant 24 : i32
    %dma_wait3A_903 = arith.constant 24 : i32
    %dma_wait3A_904 = arith.constant 0 : i32
    %dma_wait3A_905 = tpu.memref_slice %arg5[%dma_wait3A_903, %dma_wait3A_904] : memref<26x128xi32, #tpu.memory_space<vmem>> -> memref<1x128xi32, #tpu.memory_space<vmem>>
    %dma_wait3A_906 = tpu.memref_squeeze %dma_wait3A_905 : memref<1x128xi32, #tpu.memory_space<vmem>> -> memref<128xi32, #tpu.memory_space<vmem>>
    %dma_wait3A_907 = arith.constant 0 : i32
    %dma_wait3A_908 = arith.constant 0 : i32
    %dma_wait3A_909 = tpu.memref_slice %arg2[%dma_wait3A_902, %dma_wait3A_907, %dma_wait3A_908] : memref<26x1001x128xf32, #tpu.memory_space<hbm>> -> memref<1x1001x128xf32, #tpu.memory_space<hbm>>
    %dma_wait3A_910 = tpu.memref_squeeze %dma_wait3A_909 : memref<1x1001x128xf32, #tpu.memory_space<hbm>> -> memref<1001x128xf32, #tpu.memory_space<hbm>>
    %dma_wait3A_911 = arith.constant 0 : i32
    %dma_wait3A_912 = arith.constant 0 : i32
    %dma_wait3A_913 = tpu.memref_slice %dma_wait3A_910[%dma_wait3A_911, %dma_wait3A_912] : memref<1001x128xf32, #tpu.memory_space<hbm>> -> memref<1001x128xf32, #tpu.memory_space<hbm>>
    tpu.wait_indirect_dma semaphore(%arg16 : memref<!tpu.dma_semaphore, #tpu.memory_space<semaphore_mem>>) src(%dma_wait3A_913 : memref<1001x128xf32, #tpu.memory_space<hbm>>) dst(%arg9 : memref<128x128xf32, #tpu.memory_space<vmem>>)
    %dma_start3A_914 = arith.constant 24 : i32
    %dma_start3A_915 = arith.constant 0 : i32
    %dma_start3A_916 = tpu.memref_slice %arg4[%dma_start3A_914, %mul3A_2, %dma_start3A_915] : memref<36x4096x128xf32, #tpu.memory_space<hbm>> -> memref<1x128x128xf32, #tpu.memory_space<hbm>>
    %dma_start3A_917 = tpu.memref_squeeze %dma_start3A_916 : memref<1x128x128xf32, #tpu.memory_space<hbm>> -> memref<128x128xf32, #tpu.memory_space<hbm>>
    %dma_start3A_918 = arith.constant 0 : i32
    %dma_start3A_919 = tpu.memref_slice %arg4[%dma_start3A_914, %mul3A_2, %dma_start3A_918] : memref<36x4096x128xf32, #tpu.memory_space<hbm>> -> memref<1x128x128xf32, #tpu.memory_space<hbm>>
    %dma_start3A_920 = tpu.memref_squeeze %dma_start3A_919 : memref<1x128x128xf32, #tpu.memory_space<hbm>> -> memref<128x128xf32, #tpu.memory_space<hbm>>
    tpu.enqueue_dma source(%arg9 : memref<128x128xf32, #tpu.memory_space<vmem>>) target(%dma_start3A_920 : memref<128x128xf32, #tpu.memory_space<hbm>>) target_semaphore(%arg23 : memref<!tpu.dma_semaphore, #tpu.memory_space<semaphore_mem>>)
    %dma_wait3A_921 = arith.constant 25 : i32
    %dma_wait3A_922 = arith.constant 25 : i32
    %dma_wait3A_923 = arith.constant 0 : i32
    %dma_wait3A_924 = tpu.memref_slice %arg5[%dma_wait3A_922, %dma_wait3A_923] : memref<26x128xi32, #tpu.memory_space<vmem>> -> memref<1x128xi32, #tpu.memory_space<vmem>>
    %dma_wait3A_925 = tpu.memref_squeeze %dma_wait3A_924 : memref<1x128xi32, #tpu.memory_space<vmem>> -> memref<128xi32, #tpu.memory_space<vmem>>
    %dma_wait3A_926 = arith.constant 0 : i32
    %dma_wait3A_927 = arith.constant 0 : i32
    %dma_wait3A_928 = tpu.memref_slice %arg2[%dma_wait3A_921, %dma_wait3A_926, %dma_wait3A_927] : memref<26x1001x128xf32, #tpu.memory_space<hbm>> -> memref<1x1001x128xf32, #tpu.memory_space<hbm>>
    %dma_wait3A_929 = tpu.memref_squeeze %dma_wait3A_928 : memref<1x1001x128xf32, #tpu.memory_space<hbm>> -> memref<1001x128xf32, #tpu.memory_space<hbm>>
    %dma_wait3A_930 = arith.constant 0 : i32
    %dma_wait3A_931 = arith.constant 0 : i32
    %dma_wait3A_932 = tpu.memref_slice %dma_wait3A_929[%dma_wait3A_930, %dma_wait3A_931] : memref<1001x128xf32, #tpu.memory_space<hbm>> -> memref<1001x128xf32, #tpu.memory_space<hbm>>
    tpu.wait_indirect_dma semaphore(%arg17 : memref<!tpu.dma_semaphore, #tpu.memory_space<semaphore_mem>>) src(%dma_wait3A_932 : memref<1001x128xf32, #tpu.memory_space<hbm>>) dst(%arg10 : memref<128x128xf32, #tpu.memory_space<vmem>>)
    %dma_start3A_933 = arith.constant 25 : i32
    %dma_start3A_934 = arith.constant 0 : i32
    %dma_start3A_935 = tpu.memref_slice %arg4[%dma_start3A_933, %mul3A_2, %dma_start3A_934] : memref<36x4096x128xf32, #tpu.memory_space<hbm>> -> memref<1x128x128xf32, #tpu.memory_space<hbm>>
    %dma_start3A_936 = tpu.memref_squeeze %dma_start3A_935 : memref<1x128x128xf32, #tpu.memory_space<hbm>> -> memref<128x128xf32, #tpu.memory_space<hbm>>
    %dma_start3A_937 = arith.constant 0 : i32
    %dma_start3A_938 = tpu.memref_slice %arg4[%dma_start3A_933, %mul3A_2, %dma_start3A_937] : memref<36x4096x128xf32, #tpu.memory_space<hbm>> -> memref<1x128x128xf32, #tpu.memory_space<hbm>>
    %dma_start3A_939 = tpu.memref_squeeze %dma_start3A_938 : memref<1x128x128xf32, #tpu.memory_space<hbm>> -> memref<128x128xf32, #tpu.memory_space<hbm>>
    tpu.enqueue_dma source(%arg10 : memref<128x128xf32, #tpu.memory_space<vmem>>) target(%dma_start3A_939 : memref<128x128xf32, #tpu.memory_space<hbm>>) target_semaphore(%arg24 : memref<!tpu.dma_semaphore, #tpu.memory_space<semaphore_mem>>)
    %dma_wait3A_940 = arith.constant 19 : i32
    %dma_wait3A_941 = arith.constant 0 : i32
    %dma_wait3A_942 = tpu.memref_slice %arg4[%dma_wait3A_940, %mul3A_2, %dma_wait3A_941] : memref<36x4096x128xf32, #tpu.memory_space<hbm>> -> memref<1x128x128xf32, #tpu.memory_space<hbm>>
    %dma_wait3A_943 = tpu.memref_squeeze %dma_wait3A_942 : memref<1x128x128xf32, #tpu.memory_space<hbm>> -> memref<128x128xf32, #tpu.memory_space<hbm>>
    %dma_wait3A_944 = arith.constant 0 : i32
    %dma_wait3A_945 = tpu.memref_slice %arg4[%dma_wait3A_940, %mul3A_2, %dma_wait3A_944] : memref<36x4096x128xf32, #tpu.memory_space<hbm>> -> memref<1x128x128xf32, #tpu.memory_space<hbm>>
    %dma_wait3A_946 = tpu.memref_squeeze %dma_wait3A_945 : memref<1x128x128xf32, #tpu.memory_space<hbm>> -> memref<128x128xf32, #tpu.memory_space<hbm>>
    tpu.wait_dma2 semaphore(%arg25 : memref<!tpu.dma_semaphore, #tpu.memory_space<semaphore_mem>>) src(%arg11 : memref<128x128xf32, #tpu.memory_space<vmem>>) dst(%dma_wait3A_946 : memref<128x128xf32, #tpu.memory_space<hbm>>)
    %dma_wait3A_947 = arith.constant 20 : i32
    %dma_wait3A_948 = arith.constant 0 : i32
    %dma_wait3A_949 = tpu.memref_slice %arg4[%dma_wait3A_947, %mul3A_2, %dma_wait3A_948] : memref<36x4096x128xf32, #tpu.memory_space<hbm>> -> memref<1x128x128xf32, #tpu.memory_space<hbm>>
    %dma_wait3A_950 = tpu.memref_squeeze %dma_wait3A_949 : memref<1x128x128xf32, #tpu.memory_space<hbm>> -> memref<128x128xf32, #tpu.memory_space<hbm>>
    %dma_wait3A_951 = arith.constant 0 : i32
    %dma_wait3A_952 = tpu.memref_slice %arg4[%dma_wait3A_947, %mul3A_2, %dma_wait3A_951] : memref<36x4096x128xf32, #tpu.memory_space<hbm>> -> memref<1x128x128xf32, #tpu.memory_space<hbm>>
    %dma_wait3A_953 = tpu.memref_squeeze %dma_wait3A_952 : memref<1x128x128xf32, #tpu.memory_space<hbm>> -> memref<128x128xf32, #tpu.memory_space<hbm>>
    tpu.wait_dma2 semaphore(%arg26 : memref<!tpu.dma_semaphore, #tpu.memory_space<semaphore_mem>>) src(%arg12 : memref<128x128xf32, #tpu.memory_space<vmem>>) dst(%dma_wait3A_953 : memref<128x128xf32, #tpu.memory_space<hbm>>)
    %dma_wait3A_954 = arith.constant 21 : i32
    %dma_wait3A_955 = arith.constant 0 : i32
    %dma_wait3A_956 = tpu.memref_slice %arg4[%dma_wait3A_954, %mul3A_2, %dma_wait3A_955] : memref<36x4096x128xf32, #tpu.memory_space<hbm>> -> memref<1x128x128xf32, #tpu.memory_space<hbm>>
    %dma_wait3A_957 = tpu.memref_squeeze %dma_wait3A_956 : memref<1x128x128xf32, #tpu.memory_space<hbm>> -> memref<128x128xf32, #tpu.memory_space<hbm>>
    %dma_wait3A_958 = arith.constant 0 : i32
    %dma_wait3A_959 = tpu.memref_slice %arg4[%dma_wait3A_954, %mul3A_2, %dma_wait3A_958] : memref<36x4096x128xf32, #tpu.memory_space<hbm>> -> memref<1x128x128xf32, #tpu.memory_space<hbm>>
    %dma_wait3A_960 = tpu.memref_squeeze %dma_wait3A_959 : memref<1x128x128xf32, #tpu.memory_space<hbm>> -> memref<128x128xf32, #tpu.memory_space<hbm>>
    tpu.wait_dma2 semaphore(%arg20 : memref<!tpu.dma_semaphore, #tpu.memory_space<semaphore_mem>>) src(%arg6 : memref<128x128xf32, #tpu.memory_space<vmem>>) dst(%dma_wait3A_960 : memref<128x128xf32, #tpu.memory_space<hbm>>)
    %dma_wait3A_961 = arith.constant 22 : i32
    %dma_wait3A_962 = arith.constant 0 : i32
    %dma_wait3A_963 = tpu.memref_slice %arg4[%dma_wait3A_961, %mul3A_2, %dma_wait3A_962] : memref<36x4096x128xf32, #tpu.memory_space<hbm>> -> memref<1x128x128xf32, #tpu.memory_space<hbm>>
    %dma_wait3A_964 = tpu.memref_squeeze %dma_wait3A_963 : memref<1x128x128xf32, #tpu.memory_space<hbm>> -> memref<128x128xf32, #tpu.memory_space<hbm>>
    %dma_wait3A_965 = arith.constant 0 : i32
    %dma_wait3A_966 = tpu.memref_slice %arg4[%dma_wait3A_961, %mul3A_2, %dma_wait3A_965] : memref<36x4096x128xf32, #tpu.memory_space<hbm>> -> memref<1x128x128xf32, #tpu.memory_space<hbm>>
    %dma_wait3A_967 = tpu.memref_squeeze %dma_wait3A_966 : memref<1x128x128xf32, #tpu.memory_space<hbm>> -> memref<128x128xf32, #tpu.memory_space<hbm>>
    tpu.wait_dma2 semaphore(%arg21 : memref<!tpu.dma_semaphore, #tpu.memory_space<semaphore_mem>>) src(%arg7 : memref<128x128xf32, #tpu.memory_space<vmem>>) dst(%dma_wait3A_967 : memref<128x128xf32, #tpu.memory_space<hbm>>)
    %dma_wait3A_968 = arith.constant 23 : i32
    %dma_wait3A_969 = arith.constant 0 : i32
    %dma_wait3A_970 = tpu.memref_slice %arg4[%dma_wait3A_968, %mul3A_2, %dma_wait3A_969] : memref<36x4096x128xf32, #tpu.memory_space<hbm>> -> memref<1x128x128xf32, #tpu.memory_space<hbm>>
    %dma_wait3A_971 = tpu.memref_squeeze %dma_wait3A_970 : memref<1x128x128xf32, #tpu.memory_space<hbm>> -> memref<128x128xf32, #tpu.memory_space<hbm>>
    %dma_wait3A_972 = arith.constant 0 : i32
    %dma_wait3A_973 = tpu.memref_slice %arg4[%dma_wait3A_968, %mul3A_2, %dma_wait3A_972] : memref<36x4096x128xf32, #tpu.memory_space<hbm>> -> memref<1x128x128xf32, #tpu.memory_space<hbm>>
    %dma_wait3A_974 = tpu.memref_squeeze %dma_wait3A_973 : memref<1x128x128xf32, #tpu.memory_space<hbm>> -> memref<128x128xf32, #tpu.memory_space<hbm>>
    tpu.wait_dma2 semaphore(%arg22 : memref<!tpu.dma_semaphore, #tpu.memory_space<semaphore_mem>>) src(%arg8 : memref<128x128xf32, #tpu.memory_space<vmem>>) dst(%dma_wait3A_974 : memref<128x128xf32, #tpu.memory_space<hbm>>)
    %dma_wait3A_975 = arith.constant 24 : i32
    %dma_wait3A_976 = arith.constant 0 : i32
    %dma_wait3A_977 = tpu.memref_slice %arg4[%dma_wait3A_975, %mul3A_2, %dma_wait3A_976] : memref<36x4096x128xf32, #tpu.memory_space<hbm>> -> memref<1x128x128xf32, #tpu.memory_space<hbm>>
    %dma_wait3A_978 = tpu.memref_squeeze %dma_wait3A_977 : memref<1x128x128xf32, #tpu.memory_space<hbm>> -> memref<128x128xf32, #tpu.memory_space<hbm>>
    %dma_wait3A_979 = arith.constant 0 : i32
    %dma_wait3A_980 = tpu.memref_slice %arg4[%dma_wait3A_975, %mul3A_2, %dma_wait3A_979] : memref<36x4096x128xf32, #tpu.memory_space<hbm>> -> memref<1x128x128xf32, #tpu.memory_space<hbm>>
    %dma_wait3A_981 = tpu.memref_squeeze %dma_wait3A_980 : memref<1x128x128xf32, #tpu.memory_space<hbm>> -> memref<128x128xf32, #tpu.memory_space<hbm>>
    tpu.wait_dma2 semaphore(%arg23 : memref<!tpu.dma_semaphore, #tpu.memory_space<semaphore_mem>>) src(%arg9 : memref<128x128xf32, #tpu.memory_space<vmem>>) dst(%dma_wait3A_981 : memref<128x128xf32, #tpu.memory_space<hbm>>)
    %dma_wait3A_982 = arith.constant 25 : i32
    %dma_wait3A_983 = arith.constant 0 : i32
    %dma_wait3A_984 = tpu.memref_slice %arg4[%dma_wait3A_982, %mul3A_2, %dma_wait3A_983] : memref<36x4096x128xf32, #tpu.memory_space<hbm>> -> memref<1x128x128xf32, #tpu.memory_space<hbm>>
    %dma_wait3A_985 = tpu.memref_squeeze %dma_wait3A_984 : memref<1x128x128xf32, #tpu.memory_space<hbm>> -> memref<128x128xf32, #tpu.memory_space<hbm>>
    %dma_wait3A_986 = arith.constant 0 : i32
    %dma_wait3A_987 = tpu.memref_slice %arg4[%dma_wait3A_982, %mul3A_2, %dma_wait3A_986] : memref<36x4096x128xf32, #tpu.memory_space<hbm>> -> memref<1x128x128xf32, #tpu.memory_space<hbm>>
    %dma_wait3A_988 = tpu.memref_squeeze %dma_wait3A_987 : memref<1x128x128xf32, #tpu.memory_space<hbm>> -> memref<128x128xf32, #tpu.memory_space<hbm>>
    tpu.wait_dma2 semaphore(%arg24 : memref<!tpu.dma_semaphore, #tpu.memory_space<semaphore_mem>>) src(%arg10 : memref<128x128xf32, #tpu.memory_space<vmem>>) dst(%dma_wait3A_988 : memref<128x128xf32, #tpu.memory_space<hbm>>)
    return
  }
}

module attributes {stable_mosaic.version = 14 : i64} {
  func.func @_num_body(%arg0: i32, %arg1: memref<4096xf32, #tpu.memory_space<vmem>>, %arg2: memref<128xf32, #tpu.memory_space<vmem>>, %arg3: memref<1x8x128xf32, #tpu.memory_space<vmem>>, %arg4: memref<1x4096x128xf32, #tpu.memory_space<vmem>>) attributes {dimension_semantics = [#tpu.dimension_semantics<arbitrary>], iteration_bounds = array<i64: 10>, scalar_prefetch = 0 : i64, scratch_operands = 0 : i64, tpu.core_type = #tpu.core_type<tc>, window_params = [{transform_indices = @transform_0, window_bounds = array<i64: 4096>}, {transform_indices = @transform_1, window_bounds = array<i64: 128>}, {transform_indices = @transform_2, window_bounds = array<i64: 1, 8, 128>}, {transform_indices = @transform_3, window_bounds = array<i64: 1, 4096, 128>}]} {
    %get3A = arith.constant 0 : index
    %get3A_0 = vector.load %arg1[%get3A] : memref<4096xf32, #tpu.memory_space<vmem>>, vector<4096xf32>
    %broadcast_in_dim3A = vector.shape_cast %get3A_0 : vector<4096xf32> to vector<4096x1xf32>
    %get3A_1 = arith.constant 0 : index
    %get3A_2 = vector.load %arg2[%get3A_1] : memref<128xf32, #tpu.memory_space<vmem>>, vector<128xf32>
    %broadcast_in_dim3A_3 = vector.shape_cast %get3A_2 : vector<128xf32> to vector<1x128xf32>
    %mul3A = vector.broadcast %broadcast_in_dim3A : vector<4096x1xf32> to vector<4096x128xf32>
    %mul3A_4 = vector.broadcast %broadcast_in_dim3A_3 : vector<1x128xf32> to vector<4096x128xf32>
    %mul3A_5 = arith.mulf %mul3A, %mul3A_4 : vector<4096x128xf32>
    %swap3A = arith.constant 0 : index
    %swap3A_6 = arith.constant 0 : index
    %swap3A_7 = arith.constant 0 : index
    %swap3A_8 = vector.load %arg4[%swap3A, %swap3A_6, %swap3A_7] : memref<1x4096x128xf32, #tpu.memory_space<vmem>>, vector<1x4096x128xf32>
    %swap3A_9 = vector.shape_cast %swap3A_8 : vector<1x4096x128xf32> to vector<4096x128xf32>
    %swap3A_10 = vector.shape_cast %mul3A_5 : vector<4096x128xf32> to vector<1x4096x128xf32>
    tpu.vector_store %arg4[%swap3A, %swap3A_6, %swap3A_7], %swap3A_10 {strides = array<i32>} : memref<1x4096x128xf32, #tpu.memory_space<vmem>>, vector<1x4096x128xf32>,
    return
  }
  func.func @transform_0(%arg0: i32) -> i32 {
    %c0_i32 = arith.constant 0 : i32
    return %arg0 : i32
  }
  func.func @transform_1(%arg0: i32) -> i32 {
    %c0_i32 = arith.constant 0 : i32
    return %arg0 : i32
  }
  func.func @transform_2(%arg0: i32) -> (i32, i32, i32) {
    %c0_i32 = arith.constant 0 : i32
    %c0_i32_0 = arith.constant 0 : i32
    %c0_i32_1 = arith.constant 0 : i32
    %c0_i32_2 = arith.constant 0 : i32
    return %c0_i32, %c0_i32_0, %c0_i32_1 : i32, i32, i32
  }
  func.func @transform_3(%arg0: i32) -> (i32, i32, i32) {
    %add3A = arith.constant 26 : i32
    %add3A_0 = arith.addi %add3A, %arg0 : i32
    %c0_i32 = arith.constant 0 : i32
    %c0_i32_1 = arith.constant 0 : i32
    %c0_i32_2 = arith.constant 0 : i32
    return %add3A_0, %c0_i32, %c0_i32_1 : i32, i32, i32
  }
}

</mosaic_0001>

<sc_bundles>
// kernel: kernel.4.cloned.1.call-start
scs
__scs_entry_jumppad:
0x0: {  	(pc) =	sbr.rel $0x88, $3  }
0x1: {  	(tag) =	ssettag $0x0;
	lr =	simm.s32 $0x1  }
0x2: {  	[smem:$0x3F9D] =	sst lr;
	_ =	strace $0xD0000000  }
0x3: {  	_ = 	snop  }
0x4: {  	_ = 	snop  }
0x5: {  	_ = 	snop  }
0x6: {  	_ = 	snop  }
0x7: {  	_ = 	snop  }
__scs_overlays_trampoline_lowered:
0x8: {  	[smem:$0x3FAC] =	sst s0  }
0x9: {  	[smem:$0x3FAD] =	sst s1  }
0xa: {  	[smem:$0x3FAE] =	sst s2  }
0xb: {  	[smem:$0x3FAF] =	sst s3  }
0xc: {  	[smem:$0x3FB0] =	sst s4  }
0xd: {  	[smem:$0x3FB1] =	sst s5  }
0xe: {  	[smem:$0x3FB2] =	sst s6  }
0xf: {  	[smem:$0x3FB3] =	sst s7  }
0x10: {  	[smem:$0x3FB4] =	sst s8  }
0x11: {  	[smem:$0x3FB5] =	sst s9;
	s0 =	simm.s32 @!p0 $0x0  }
0x12: {  	s1 =	sld [smem:$0x3F9B];
	s0 =	simm.s32 @p0 $0x1  }
0x13: {  	[smem:$0x3FB6] =	sst s0;
	s0 =	simm.s32 @!p1 $0x0  }
0x14: {  	s2 =	sld [smem:$0x3F9A];
	s0 =	simm.s32 @p1 $0x1  }
0x15: {  	[smem:$0x3FB7] =	sst s0;
	s0 =	simm.s32 @!p2 $0x0  }
0x16: {  	s3 =	sld [smem:$0x3FDB];
	s0 =	simm.s32 @p2 $0x1  }
0x17: {  	s4 =	simm.s32 $0x1BF5;
	[smem:$0x3FB9] =	sst s0  }
0x18: {  	s0 =	sld [smem:$0x3F9C];
	_ =	swait.ge [sflag:s4], $0x0  }
0x19: {  	s7 =	sld [smem:$0x3F9D]  }
0x1a: {  	s8 =	sadd.s32 $0xFFFFE003, lr  }
0x1b: {  	s9 =	sadd.s32 $0xFFFFFEF7, lr;
	s5 =	simm.s32 $0xFFFFFFFF;
	p2 =	slt.u32 s8, $0xFFFFF086  }
0x1c: {  	p1 =	slt.u32 s9, $0xF7A;
	s5 =	simm.s32 @!p2 $0x0  }
0x1d: {  	s5 =	simm.s32 @p1 $0x1;
	p0 =	seq.s32 s7, s2  }
0x1e: {  	s7 =	smul.u32 @!p0 $0xF7A, s2;
	p2 =	seq.s32 @!p0 s5, $0x0  }
0x1f: {  	s9 =	smul.u32 $0xF7A, s1;
	s8 =	simm.s32 @!p0 $0x1BF5;
	p2 =	por !p2, p0  }
0x20: {  	[sflag:s8] =	ssyncset.s32 @!p0 $0xFFFFF086;
	s6 =	sadd.s32 @!p0 s3, s7;
	s7 =	simm.s32 @!p0 $0x108  }
0x21: {  	s3 =	sadd.s32 s3, s9;
	s6 =	sadd.s32 @!p0 $0x88, s6;
	s7 =	simm.s32 @p2 $0x1082  }
0x22: {  	[simem:s7], [sflag:s8] =	dma.local @!p0 [hbm:s6], $0xF7A  }
0x23: {  	s9 =	sor.u32 $0xD0000000, s2;
	s6 =	simm.s32 $0x108;
	_ =	swait.ge @!p0 [sflag:s8], $0x0  }
0x24: {  	s3 =	sadd.s32 $0x88, s3;
	s6 =	simm.s32 @!p1 $0x1082;
	[sflag:s4] =	ssyncset.s32 $0xFFFFF086  }
0x25: {  	[simem:s6], [sflag:s4] =	dma.local [hbm:s3], $0xF7A  }
0x26: {  	[smem:$0x3F9D] =	sst s1;
	(tag) =	ssettag s2;
	_ =	strace s9  }
0x27: {  	s1 =	sld [smem:$0x3FAD]  }
0x28: {  	s2 =	sld [smem:$0x3FAE]  }
0x29: {  	s4 =	sld [smem:$0x3FB0]  }
0x2a: {  	p0 =	seq.s32 s5, $0x0;
	s5 =	sld [smem:$0x3FB1]  }
0x2b: {  	s6 =	sld [smem:$0x3FB2]  }
0x2c: {  	s7 =	sld [smem:$0x3FB3]  }
0x2d: {  	s3 =	simm.s32 $0x108;
	s8 =	sld [smem:$0x3FB4]  }
0x2e: {  	s3 =	simm.s32 @!p0 $0x1082;
	s9 =	sld [smem:$0x3FB5]  }
0x2f: {  	lr =	sadd.s32 s0, s3;
	s0 =	sld [smem:$0x3FAC]  }
0x30: {  	s3 =	sld [smem:$0x3FAF]  }
0x31: {  	[smem:$0x3FB8] =	sst s10  }
0x32: {  	s10 =	sld [smem:$0x3FB6];
	_ =	sdelay $0x3  }
0x33: {  	p0 =	seq.s32 s10, $0x1;
	s10 =	sld [smem:$0x3FB8];
	_ =	sdelay $0x3  }
0x34: {  	[smem:$0x3FB8] =	sst s10  }
0x35: {  	s10 =	sld [smem:$0x3FB7];
	_ =	sdelay $0x3  }
0x36: {  	p1 =	seq.s32 s10, $0x1;
	s10 =	sld [smem:$0x3FB8];
	_ =	sdelay $0x3  }
0x37: {  	[smem:$0x3FB8] =	sst s10  }
0x38: {  	s10 =	sld [smem:$0x3FB9]  }
0x39: {  	_ = 	snop;
	(pc) =	sbr.ind lr, $3  }
0x3a: {  	_ = 	snop  }
0x3b: {  	_ = 	snop  }
0x3c: {  	p2 =	seq.s32 s10, $0x1;
	s10 =	sld [smem:$0x3FB8]  }
0x3d: {  	_ =	shalt  }
0x3e: {  	_ =	shalt  }
0x3f: {  	_ =	shalt  }
0x40: {  	_ =	shalt  }
0x41: {  	_ =	shalt  }
0x42: {  	_ =	shalt  }
0x43: {  	_ =	shalt  }
0x44: {  	_ =	shalt  }
0x45: {  	_ =	shalt  }
0x46: {  	_ =	shalt  }
0x47: {  	_ =	shalt  }
0x48: {  	_ =	shalt  }
0x49: {  	_ =	shalt  }
0x4a: {  	_ =	shalt  }
0x4b: {  	_ =	shalt  }
0x4c: {  	_ =	shalt  }
0x4d: {  	_ =	shalt  }
0x4e: {  	_ =	shalt  }
0x4f: {  	_ =	shalt  }
0x50: {  	_ =	shalt  }
0x51: {  	_ =	shalt  }
0x52: {  	_ =	shalt  }
0x53: {  	_ =	shalt  }
0x54: {  	_ =	shalt  }
0x55: {  	_ =	shalt  }
0x56: {  	_ =	shalt  }
0x57: {  	_ =	shalt  }
0x58: {  	_ =	shalt  }
0x59: {  	_ =	shalt  }
0x5a: {  	_ =	shalt  }
0x5b: {  	_ =	shalt  }
0x5c: {  	_ =	shalt  }
0x5d: {  	_ =	shalt  }
0x5e: {  	_ =	shalt  }
0x5f: {  	_ =	shalt  }
0x60: {  	_ =	shalt  }
0x61: {  	_ =	shalt  }
0x62: {  	_ =	shalt  }
0x63: {  	_ =	shalt  }
0x64: {  	_ =	shalt  }
0x65: {  	_ =	shalt  }
0x66: {  	_ =	shalt  }
0x67: {  	_ =	shalt  }
0x68: {  	_ =	shalt  }
0x69: {  	_ =	shalt  }
0x6a: {  	_ =	shalt  }
0x6b: {  	_ =	shalt  }
0x6c: {  	_ =	shalt  }
0x6d: {  	_ =	shalt  }
0x6e: {  	_ =	shalt  }
0x6f: {  	_ =	shalt  }
0x70: {  	_ =	shalt  }
0x71: {  	_ =	shalt  }
0x72: {  	_ =	shalt  }
0x73: {  	_ =	shalt  }
0x74: {  	_ =	shalt  }
0x75: {  	_ =	shalt  }
0x76: {  	_ =	shalt  }
0x77: {  	_ =	shalt  }
0x78: {  	_ =	shalt  }
0x79: {  	_ =	shalt  }
0x7a: {  	_ =	shalt  }
0x7b: {  	_ =	shalt  }
0x7c: {  	_ =	shalt  }
0x7d: {  	_ =	shalt  }
0x7e: {  	_ =	shalt  }
0x7f: {  	_ =	shalt  }
0x80: {  	_ =	shalt  }
0x81: {  	_ =	shalt  }
0x82: {  	_ =	shalt  }
0x83: {  	_ =	shalt  }
0x84: {  	_ =	shalt  }
0x85: {  	_ =	shalt  }
0x86: {  	_ =	shalt  }
0x87: {  	_ =	shalt  }
.Lfunc_end0:
.L_simem_size_0:
called_computation_lowered:
.L_overlay_start_0:
0x88: {  	s2 =	sld [smem:$0x3FD9]  }
0x89: {  	s3 =	sld [smem:$0x3FFE];
	_ =	sdelay $0x1  }
0x8a: {  	s1 =	srdreg.scid  }
0x8b: {  	s0 =	sand.u32 $0x1, s1  }
0x8c: {  	s18 =	sshll.u32 s0, $0xA;
	s2 =	sadd.s32 s3, s2  }
0x8d: {  	s2 =	sadd.s32 s2, s18  }
0x8e: {  	[smem:$0x3FC4] =	sst s2  }
0x8f: {  	_ = 	snop  }
0x90: {  	s2 =	sld [smem:$0x3FC8]  }
0x91: {  	s19 =	sld [smem:$0x3FC7]  }
0x92: {  	s4 =	sld [smem:$0x3FD0];
	(tm) =	ssettm $0x1  }
0x93: {  	s5 =	sld [smem:$0x3FFB];
	_ =	sdelay $0x3  }
0x94: {  	_ =	strace s5  }
0x95: {  	s5 =	sld [smem:$0x3FFC];
	_ =	sdelay $0x3  }
0x96: {  	_ =	strace s5  }
0x97: {  	s5 =	sld [smem:$0x3FFD];
	_ =	sdelay $0x3  }
0x98: {  	_ =	strace s5  }
0x99: {  	_ =	strace $0x8FFFFFFF  }
0x9a: {  	s20 =	sld [smem:$0x3FDB];
	_ =	sdelay $0x1  }
0x9b: {  	s6 =	simm.s32 $_scs_section_size  }
0x9c: {  	s7 =	simm.s32 $_size__tile_overlayer_lowered;
	s8 =	simm.s32 $_tile_overlayer_lowered  }
0x9d: {  	s23 =	simm.s32 $0x1BFF;
	s22 =	sshll.u32 s8, $0x1;
	s5 =	sadd.s32 s6, s20  }
0x9e: {  	s9 =	simm.s32 $0x0;
	s21 =	sshll.u32 s7, $0x1;
	s7 =	sadd.s32 s22, s5  }
0x9f: {  	[timem:s9], [sflag:s23] =	dma.local [hbm:s7], s21  }
0xa0: {  	_ =	swait.ge [sflag:s23], s21  }
0xa1: {  	s6 =	ssub.s32 $0x0, s21;
	[sflag:s23] =	ssyncset.done $0x0  }
0xa2: {  	[sflag:s23] =	ssyncadd.s32 s6;
	_ =	sdelay $0x1  }
0xa3: {  	s24 =	simm.s32 $0x1B8B  }
0xa4: {  	_ =	swait.ge [sflag:s24], $0x1  }
0xa5: {  	[sflag:s24] =	ssyncset.done $0x0  }
0xa6: {  	s25 =	simm.s32 $0x1B8E;
	[sflag:s24] =	ssyncadd.s32 $0xFFFFFFFF  }
0xa7: {  	s26 =	simm.s32 $execute0_lowered;
	[smem:$0x3FD2] =	sst s25  }
0xa8: {  	s6 =	sshll.u32 s26, $0x1;
	_ =	strace $0x80000046;
	[dreg:$0x1] =	wrdreg $0xFFFFFFFF  }
0xa9: {  	s28 =	simm.s32 $_size_execute0_lowered;
	s5 =	sadd.s32 s5, s6;
	[dreg:$0x0] =	wrdreg $0x0  }
0xaa: {  	s6 =	sshll.u32 s28, $0x1;
	[dreg:$0x2] =	wrdreg s5  }
0xab: {  	[dreg:$0x3] =	wrdreg s6  }
0xac: {  	[dreg:$0x4] =	wrdreg $0xC0  }
0xad: {  	_ =	task [dreg:s9], $0x5FFFF  }
0xae: {  	[dreg:$0x1] =	wrdreg $0xFFFFFFFF  }
0xaf: {  	[dreg:$0x0] =	wrdreg $0x60  }
0xb0: {  	[dreg:$0x2] =	wrdreg s19  }
0xb1: {  	[dreg:$0x3] =	wrdreg s2  }
0xb2: {  	[dreg:$0x4] =	wrdreg s4  }
0xb3: {  	[dreg:$0x5] =	wrdreg $0x9  }
0xb4: {  	_ =	task.clear_ibuf [dreg:s9], $0x6FFFF;
	_ =	strace $0x90000046  }
0xb5: {  	s29 =	simm.s32 $0x9;
	_ =	strace $0x80000048  }
0xb6: {  	_ =	swait.ge [sflag:s29], $0x1  }
0xb7: {  	[sflag:s29] =	ssyncadd.s32 $0xFFFFFFFF  }
0xb8: {  	_ =	strace $0x90000048  }
0xb9: {  	_ =	sfence  }
0xba: {  	s30 =	sld [smem:$0x0];
	_ =	sdelay $0x2  }
0xbb: {  	s31 =	sshll.u32 s1, $0xD;
	s1 =	sshrl.u32 s1, $0x2  }
0xbc: {  	s3 =	sand.u32 $0x4000, s31;
	s1 =	sadd.s32 s1, s30  }
0xbd: {  	s0 =	sor.u32 s3, s0;
	s1 =	sshll.u32 s1, $0x11  }
0xbe: {  	s0 =	sor.u32 s1, s0  }
0xbf: {  	s0 =	sadd.s32 $0x8F2B, s0  }
0xc0: {  	[sflag:s0] =	ssyncadd.remote.s32 $0x1  }
0xc1: {  	_ =	sfence.sel $0xFFFF  }
0xc2: {  	[dreg:$0x0] =	wrdreg $0xFFFFFFFF;
	(pc) =	sbr.abs _section_cstart, $3  }
0xc3: {  	[dreg:$0x1] =	wrdreg $0xFFFFFFFF  }
0xc4: {  	_ =	task.clear_ibuf [dreg:s9], $0x2FFFF;
	_ =	strace $0x9FFFFFFF  }
0xc5: {  	(tm) =	ssettm $0x7FFFFFFF  }
tec
execute0_lowered:
.L_overlay_start_1:
0x0: {  	(tag) =	ssettag $0x1  }
0x1: {  	s2 =	rddreg [dreg:$0x0]  }
0x2: {  	s4 =	rddreg [dreg:$0x1]  }
0x3: {  	s7 =	rddreg [dreg:$0x2];
	s3 =	simm.s32 $0x0  }
0x4: {  	[smem:$0x7FF] =	sst s3;
	s10 =	sadd.s32 $0x3F00, s2  }
0x5: {  	s11 =	sadd.s32 $0x7E00, s2;
	_ =	strace $0x80000047;
	[dreg:$0x5] =	wrdreg s10  }
0x6: {  	s12 =	sadd.s32 $0xBD00, s2;
	[dreg:$0x6] =	wrdreg s11  }
0x7: {  	s13 =	sadd.s32 $0xFC00, s2;
	[dreg:$0x7] =	wrdreg s12  }
0x8: {  	s14 =	sadd.s32 $0x13B00, s2;
	[dreg:$0x8] =	wrdreg s13  }
0x9: {  	s15 =	sadd.s32 $0x17A00, s2;
	[dreg:$0x9] =	wrdreg s14  }
0xa: {  	s17 =	sadd.s32 $0x1B900, s2;
	[dreg:$0xa] =	wrdreg s15  }
0xb: {  	s19 =	sadd.s32 $0x1F800, s2;
	[dreg:$0xc] =	wrdreg s17  }
0xc: {  	s0 =	srdreg.scid;
	s21 =	sadd.s32 $0x23700, s2;
	[dreg:$0xe] =	wrdreg s19  }
0xd: {  	s1 =	stileid.u32;
	s23 =	sadd.s32 $0x27600, s2;
	[dreg:$0x10] =	wrdreg s21  }
0xe: {  	s8 =	sand.u32 $0x1, s0;
	s25 =	sadd.s32 $0x2B500, s2;
	[dreg:$0x12] =	wrdreg s23  }
0xf: {  	s5 =	sshll.u32 s1, $0x8;
	[dreg:$0x14] =	wrdreg s25;
	s10 =	sadd.s32 $0x37200, s2  }
0x10: {  	s6 =	sshll.u32 s8, $0x7;
	s12 =	sadd.s32 $0x3B100, s2;
	[dreg:$0x1a] =	wrdreg s10  }
0x11: {  	s14 =	sadd.s32 $0x3F000, s2;
	s5 =	sor.u32 s6, s5;
	[dreg:$0x1c] =	wrdreg s12  }
0x12: {  	[dreg:$0x1e] =	wrdreg s14;
	s1 =	sadd.s32 s4, s5  }
0x13: {  	s5 =	sshll.u32 s5, $0x4;
	s9 =	sadd.s32 $0x3000, s1;
	[smem:$0x7CF] =	sst s1  }
0x14: {  	s4 =	sadd.s32 s7, s5;
	s5 =	sadd.s32 $0x2F400, s2;
	[dreg:$0x4] =	wrdreg s9  }
0x15: {  	s7 =	sadd.s32 $0x33300, s2;
	[dreg:$0x16] =	wrdreg s5  }
0x16: {  	s16 =	sadd.s32 $0x10000, s4;
	[dreg:$0x18] =	wrdreg s7  }
0x17: {  	s18 =	sadd.s32 $0x20000, s4;
	[dreg:$0xb] =	wrdreg s16  }
0x18: {  	s20 =	sadd.s32 $0x30000, s4;
	[dreg:$0xd] =	wrdreg s18  }
0x19: {  	s22 =	sadd.s32 $0x40000, s4;
	[dreg:$0xf] =	wrdreg s20  }
0x1a: {  	s24 =	sadd.s32 $0x50000, s4;
	[dreg:$0x11] =	wrdreg s22  }
0x1b: {  	s26 =	sadd.s32 $0x60000, s4;
	[dreg:$0x13] =	wrdreg s24  }
0x1c: {  	s6 =	sadd.s32 $0x70000, s4;
	[dreg:$0x15] =	wrdreg s26  }
0x1d: {  	s9 =	sadd.s32 $0x80000, s4;
	[dreg:$0x17] =	wrdreg s6  }
0x1e: {  	s11 =	sadd.s32 $0x90000, s4;
	[dreg:$0x19] =	wrdreg s9  }
0x1f: {  	s13 =	sadd.s32 $0xA0000, s4;
	[dreg:$0x1b] =	wrdreg s11  }
0x20: {  	s15 =	sadd.s32 $0xB0000, s4;
	[dreg:$0x1d] =	wrdreg s13  }
0x21: {  	s17 =	sadd.s32 $0xC0000, s4;
	[dreg:$0x1f] =	wrdreg s15  }
0x22: {  	s19 =	sadd.s32 $0xD0000, s4;
	[smem:$0x7E1] =	sst s17  }
0x23: {  	s21 =	sadd.s32 $0xE0000, s4;
	[smem:$0x7E4] =	sst s19  }
0x24: {  	s23 =	sadd.s32 $0xF0000, s4;
	[smem:$0x7E7] =	sst s21  }
0x25: {  	s25 =	sadd.s32 $0x100000, s4;
	[smem:$0x7EA] =	sst s23  }
0x26: {  	s5 =	sadd.s32 $0x110000, s4;
	[smem:$0x7ED] =	sst s25  }
0x27: {  	s7 =	sadd.s32 $0x120000, s4;
	[smem:$0x7F0] =	sst s5  }
0x28: {  	s10 =	sadd.s32 $0x130000, s4;
	[smem:$0x7F3] =	sst s7  }
0x29: {  	s12 =	sadd.s32 $0x140000, s4;
	[smem:$0x7F5] =	sst s10  }
0x2a: {  	s14 =	sadd.s32 $0x160000, s4;
	[smem:$0x7F8] =	sst s12  }
0x2b: {  	s16 =	sadd.s32 $0x42F00, s2;
	[smem:$0x7FA] =	sst s14  }
0x2c: {  	s18 =	sadd.s32 $0x46E00, s2;
	[smem:$0x7DF] =	sst s16  }
0x2d: {  	s20 =	sadd.s32 $0x4AD00, s2;
	[smem:$0x7E2] =	sst s18  }
0x2e: {  	s22 =	sadd.s32 $0x4EC00, s2;
	[smem:$0x7E5] =	sst s20  }
0x2f: {  	s24 =	sadd.s32 $0x52B00, s2;
	[smem:$0x7E8] =	sst s22  }
0x30: {  	s26 =	sadd.s32 $0x56A00, s2;
	[smem:$0x7EB] =	sst s24  }
0x31: {  	s6 =	sadd.s32 $0x5A900, s2;
	[smem:$0x7EE] =	sst s26  }
0x32: {  	s9 =	sadd.s32 $0x5E800, s2;
	[smem:$0x7F1] =	sst s6  }
0x33: {  	s11 =	sadd.s32 $0x62700, s2;
	[smem:$0x7F4] =	sst s9  }
0x34: {  	s13 =	sadd.s32 $0x150000, s4;
	[smem:$0x7F6] =	sst s11  }
0x35: {  	s15 =	sadd.s32 $0x170000, s4;
	[smem:$0x7F9] =	sst s13  }
0x36: {  	s17 =	sadd.s32 $0x190000, s4;
	[smem:$0x7FB] =	sst s15  }
0x37: {  	s19 =	simm.s32 $0x100;
	[smem:$0x7FD] =	sst s17  }
0x38: {  	s21 =	simm.s32 $0x200;
	[smem:$0x7D1] =	sst s19  }
0x39: {  	s23 =	simm.s32 $0x300;
	[smem:$0x7D0] =	sst s21  }
0x3a: {  	s25 =	simm.s32 $0x480;
	[smem:$0x7D4] =	sst s23  }
0x3b: {  	s5 =	simm.s32 $0x580;
	[smem:$0x7D7] =	sst s25  }
0x3c: {  	s7 =	simm.s32 $0x680;
	[smem:$0x7D9] =	sst s5  }
0x3d: {  	s10 =	simm.s32 $0x780;
	[smem:$0x7DB] =	sst s7  }
0x3e: {  	s12 =	simm.s32 $0x880;
	[smem:$0x7DD] =	sst s10  }
0x3f: {  	s14 =	simm.s32 $0x980;
	[smem:$0x7E0] =	sst s12  }
0x40: {  	s16 =	sadd.s32 $0x180000, s4;
	[smem:$0x7E6] =	sst s14  }
0x41: {  	s18 =	simm.s32 $0x8000;
	[smem:$0x7FC] =	sst s16  }
0x42: {  	s20 =	simm.s32 $0x180;
	[smem:$0x7CE] =	sst s18  }
0x43: {  	s22 =	simm.s32 $0x280;
	[smem:$0x7D2] =	sst s20  }
0x44: {  	s24 =	simm.s32 $0x380;
	[smem:$0x7D3] =	sst s22  }
0x45: {  	s26 =	simm.s32 $0x500;
	[smem:$0x7D6] =	sst s24  }
0x46: {  	s6 =	simm.s32 $0x600;
	[smem:$0x7D8] =	sst s26  }
0x47: {  	s9 =	simm.s32 $0x700;
	[smem:$0x7DA] =	sst s6  }
0x48: {  	s11 =	simm.s32 $0x800;
	[smem:$0x7DC] =	sst s9  }
0x49: {  	s13 =	simm.s32 $0x900;
	[smem:$0x7DE] =	sst s11  }
0x4a: {  	s15 =	simm.s32 $0xA00;
	[smem:$0x7E3] =	sst s13  }
0x4b: {  	s17 =	simm.s32 $0xB00;
	[smem:$0x7E9] =	sst s15  }
0x4c: {  	[smem:$0x7EF] =	sst s17  }
0x4d: {  	s9 =	rddreg [dreg:$0x4]  }
0x4e: {  	s19 =	simm.s32 $0xC80;
	s7 =	sld [smem:$0x7CE]  }
0x4f: {  	s16 =	simm.s32 $0xA80;
	[smem:$0x7F7] =	sst s19  }
0x50: {  	s5 =	simm.s32 $0x400;
	s18 =	simm.s32 $0xB80;
	[smem:$0x7EC] =	sst s16  }
0x51: {  	[tilespmem:s3], [sflag:$0xF] =	stream.strided.gather [hbm4b:s1+s5], $0xC00, s7, s5, $0x38;
	[tilespmem:$0x1D000] =	vst v63  }
0x52: {  	s6 =	simm.s32 $0xC00;
	s20 =	simm.s32 $0xF;
	[smem:$0x7F2] =	sst s18  }
0x53: {  	[tilespmem:s6], [sflag:$0xF] =	stream.linear.gather [hbm4b:s9+s3], $0x100, $0x38;
	[tilespmem:$0x1D000] =	vst v63  }
0x54: {  	_ =	swait.ge [sflag:s20], $0xD00  }
0x55: {  	s21 =	sld [smem:$0x7D0]  }
0x56: {  	s13 =	rddreg [dreg:$0x6]  }
0x57: {  	s10 =	simm.s32 $0x1000;
	[sflag:s20] =	ssyncset.done $0x0;
	s12 =	rddreg [dreg:$0x5]  }
0x58: {  	s9 =	simm.s32 $0x80;
	s14 =	sld [smem:$0x7D1];
	[sflag:s20] =	ssyncadd.s32 $0xFFFFF300  }
0x59: {  	[tilespmem:s10], [sflag:$0x1] =	stream.indirect.gather [hbm4b:s2+s9], $0x80, s3, s9, $0xb8;
	[tilespmem:$0x1D000] =	vst v63  }
0x5a: {  	s11 =	simm.s32 $0x5000;
	s15 =	rddreg [dreg:$0x7]  }
0x5b: {  	[tilespmem:s11], [sflag:$0x2] =	stream.indirect.gather [hbm4b:s12+s9], $0x80, s9, s9, $0xb8;
	[tilespmem:$0x1D000] =	vst v63  }
0x5c: {  	s16 =	sld [smem:$0x7D2];
	s12 =	simm.s32 $0x9000  }
0x5d: {  	[tilespmem:s12], [sflag:$0x3] =	stream.indirect.gather [hbm4b:s13+s9], $0x80, s14, s9, $0xb8;
	[tilespmem:$0x1D000] =	vst v63  }
0x5e: {  	s17 =	rddreg [dreg:$0x8];
	s13 =	simm.s32 $0xD000  }
0x5f: {  	[tilespmem:s13], [sflag:$0x4] =	stream.indirect.gather [hbm4b:s15+s9], $0x80, s16, s9, $0xb8;
	[tilespmem:$0x1D000] =	vst v63  }
0x60: {  	s19 =	sld [smem:$0x7D3];
	s14 =	simm.s32 $0x11000  }
0x61: {  	[tilespmem:s14], [sflag:$0x5] =	stream.indirect.gather [hbm4b:s17+s9], $0x80, s21, s9, $0xb8;
	[tilespmem:$0x1D000] =	vst v63  }
0x62: {  	s18 =	rddreg [dreg:$0x9];
	s15 =	simm.s32 $0x15000;
	s16 =	simm.s32 $0x1  }
0x63: {  	[tilespmem:s15], [sflag:$0x6] =	stream.indirect.gather [hbm4b:s18+s9], $0x80, s19, s9, $0xb8;
	[tilespmem:$0x1D000] =	vst v63  }
0x64: {  	_ =	swait.ge [sflag:s16], $0x4000  }
0x65: {  	[sflag:s16] =	ssyncset.done $0x0;
	s22 =	rddreg [dreg:$0xa]  }
0x66: {  	s23 =	sld [smem:$0x7D4];
	[sflag:s16] =	ssyncadd.s32 $0xFFFFC000  }
0x67: {  	[hbm4b:s4+s3] =	stream.linear.scatter [tilespmem:s10], [sflag:$0x8], $0x4000, $0x38;
	[tilespmem:$0x1D000] =	vst v63  }
0x68: {  	s18 =	simm.s32 $0x19000;
	s19 =	simm.s32 $0x2;
	[smem:$0x7D5] =	sst s4  }
0x69: {  	[tilespmem:s18], [sflag:$0x7] =	stream.indirect.gather [hbm4b:s22+s9], $0x80, s23, s9, $0xb8;
	[tilespmem:$0x1D000] =	vst v63  }
0x6a: {  	_ =	swait.ge [sflag:s19], $0x4000  }
0x6b: {  	[sflag:s19] =	ssyncset.done $0x0  }
0x6c: {  	s17 =	simm.s32 $0x8;
	s24 =	rddreg [dreg:$0xb];
	[sflag:s19] =	ssyncadd.s32 $0xFFFFC000  }
0x6d: {  	[hbm4b:s24+s3] =	stream.linear.scatter [tilespmem:s11], [sflag:$0x9], $0x4000, $0x38;
	[tilespmem:$0x1D000] =	vst v63  }
0x6e: {  	_ =	swait.ge [sflag:s17], $0x4000  }
0x6f: {  	s20 =	sld [smem:$0x7D6]  }
0x70: {  	[sflag:s17] =	ssyncset.done $0x0  }
0x71: {  	s21 =	simm.s32 $0x3;
	s25 =	rddreg [dreg:$0xc];
	[sflag:s17] =	ssyncadd.s32 $0xFFFFC000  }
0x72: {  	[tilespmem:s10], [sflag:$0x1] =	stream.indirect.gather [hbm4b:s25+s9], $0x80, s20, s9, $0xb8;
	[tilespmem:$0x1D000] =	vst v63  }
0x73: {  	_ =	swait.ge [sflag:s21], $0x4000  }
0x74: {  	[sflag:s21] =	ssyncset.done $0x0  }
0x75: {  	s20 =	simm.s32 $0x9;
	s26 =	rddreg [dreg:$0xd];
	[sflag:s21] =	ssyncadd.s32 $0xFFFFC000  }
0x76: {  	[hbm4b:s26+s3] =	stream.linear.scatter [tilespmem:s12], [sflag:$0xA], $0x4000, $0x38;
	[tilespmem:$0x1D000] =	vst v63  }
0x77: {  	_ =	swait.ge [sflag:s20], $0x4000  }
0x78: {  	[sflag:s20] =	ssyncset.done $0x0  }
0x79: {  	s23 =	simm.s32 $0x4;
	s1 =	rddreg [dreg:$0xe];
	[sflag:s20] =	ssyncadd.s32 $0xFFFFC000  }
0x7a: {  	[tilespmem:s11], [sflag:$0x2] =	stream.indirect.gather [hbm4b:s1+s9], $0x80, s5, s9, $0xb8;
	[tilespmem:$0x1D000] =	vst v63  }
0x7b: {  	_ =	swait.ge [sflag:s23], $0x4000  }
0x7c: {  	[sflag:s23] =	ssyncset.done $0x0  }
0x7d: {  	s22 =	simm.s32 $0xA;
	s2 =	rddreg [dreg:$0xf];
	[sflag:s23] =	ssyncadd.s32 $0xFFFFC000  }
0x7e: {  	[hbm4b:s2+s3] =	stream.linear.scatter [tilespmem:s13], [sflag:$0xB], $0x4000, $0x38;
	[tilespmem:$0x1D000] =	vst v63  }
0x7f: {  	_ =	swait.ge [sflag:s22], $0x4000  }
0x80: {  	s24 =	sld [smem:$0x7D7]  }
0x81: {  	[sflag:s22] =	ssyncset.done $0x0  }
0x82: {  	s26 =	simm.s32 $0x5;
	s4 =	rddreg [dreg:$0x10];
	[sflag:s22] =	ssyncadd.s32 $0xFFFFC000  }
0x83: {  	[tilespmem:s12], [sflag:$0x3] =	stream.indirect.gather [hbm4b:s4+s9], $0x80, s24, s9, $0xb8;
	[tilespmem:$0x1D000] =	vst v63  }
0x84: {  	_ =	swait.ge [sflag:s26], $0x4000  }
0x85: {  	[sflag:s26] =	ssyncset.done $0x0  }
0x86: {  	s24 =	simm.s32 $0xB;
	s5 =	rddreg [dreg:$0x11];
	[sflag:s26] =	ssyncadd.s32 $0xFFFFC000  }
0x87: {  	[hbm4b:s5+s3] =	stream.linear.scatter [tilespmem:s14], [sflag:$0xC], $0x4000, $0x38;
	[tilespmem:$0x1D000] =	vst v63  }
0x88: {  	_ =	swait.ge [sflag:s24], $0x4000  }
0x89: {  	s25 =	sld [smem:$0x7D8]  }
0x8a: {  	[sflag:s24] =	ssyncset.done $0x0  }
0x8b: {  	s28 =	simm.s32 $0x6;
	s7 =	rddreg [dreg:$0x12];
	[sflag:s24] =	ssyncadd.s32 $0xFFFFC000  }
0x8c: {  	[tilespmem:s13], [sflag:$0x4] =	stream.indirect.gather [hbm4b:s7+s9], $0x80, s25, s9, $0xb8;
	[tilespmem:$0x1D000] =	vst v63  }
0x8d: {  	_ =	swait.ge [sflag:s28], $0x4000  }
0x8e: {  	[sflag:s28] =	ssyncset.done $0x0  }
0x8f: {  	s25 =	simm.s32 $0xC;
	s1 =	rddreg [dreg:$0x13];
	[sflag:s28] =	ssyncadd.s32 $0xFFFFC000  }
0x90: {  	[hbm4b:s1+s3] =	stream.linear.scatter [tilespmem:s15], [sflag:$0xD], $0x4000, $0x38;
	[tilespmem:$0x1D000] =	vst v63  }
0x91: {  	_ =	swait.ge [sflag:s25], $0x4000  }
0x92: {  	s29 =	sld [smem:$0x7D9]  }
0x93: {  	[sflag:s25] =	ssyncset.done $0x0  }
0x94: {  	s2 =	rddreg [dreg:$0x14];
	[sflag:s25] =	ssyncadd.s32 $0xFFFFC000  }
0x95: {  	[tilespmem:s14], [sflag:$0x5] =	stream.indirect.gather [hbm4b:s2+s9], $0x80, s29, s9, $0xb8;
	[tilespmem:$0x1D000] =	vst v63  }
0x96: {  	s29 =	simm.s32 $0x7  }
0x97: {  	_ =	swait.ge [sflag:s29], $0x4000  }
0x98: {  	[sflag:s29] =	ssyncset.done $0x0  }
0x99: {  	s30 =	simm.s32 $0xD;
	s4 =	rddreg [dreg:$0x15];
	[sflag:s29] =	ssyncadd.s32 $0xFFFFC000  }
0x9a: {  	[hbm4b:s4+s3] =	stream.linear.scatter [tilespmem:s18], [sflag:$0xE], $0x4000, $0x38;
	[tilespmem:$0x1D000] =	vst v63  }
0x9b: {  	_ =	swait.ge [sflag:s30], $0x4000  }
0x9c: {  	s31 =	sld [smem:$0x7DA]  }
0x9d: {  	[sflag:s30] =	ssyncset.done $0x0  }
0x9e: {  	s5 =	rddreg [dreg:$0x16];
	[sflag:s30] =	ssyncadd.s32 $0xFFFFC000  }
0x9f: {  	[tilespmem:s15], [sflag:$0x6] =	stream.indirect.gather [hbm4b:s5+s9], $0x80, s31, s9, $0xb8;
	[tilespmem:$0x1D000] =	vst v63  }
0xa0: {  	_ =	swait.ge [sflag:s16], $0x4000  }
0xa1: {  	[sflag:s16] =	ssyncset.done $0x0  }
0xa2: {  	s31 =	simm.s32 $0xE;
	s7 =	rddreg [dreg:$0x17];
	[sflag:s16] =	ssyncadd.s32 $0xFFFFC000  }
0xa3: {  	[hbm4b:s7+s3] =	stream.linear.scatter [tilespmem:s10], [sflag:$0x8], $0x4000, $0x38;
	[tilespmem:$0x1D000] =	vst v63  }
0xa4: {  	_ =	swait.ge [sflag:s31], $0x4000  }
0xa5: {  	s2 =	sld [smem:$0x7DB]  }
0xa6: {  	[sflag:s31] =	ssyncset.done $0x0  }
0xa7: {  	s0 =	rddreg [dreg:$0x18];
	[sflag:s31] =	ssyncadd.s32 $0xFFFFC000  }
0xa8: {  	[tilespmem:s18], [sflag:$0x7] =	stream.indirect.gather [hbm4b:s0+s9], $0x80, s2, s9, $0xb8;
	[tilespmem:$0x1D000] =	vst v63  }
0xa9: {  	_ =	swait.ge [sflag:s19], $0x4000  }
0xaa: {  	[sflag:s19] =	ssyncset.done $0x0  }
0xab: {  	s4 =	rddreg [dreg:$0x19];
	[sflag:s19] =	ssyncadd.s32 $0xFFFFC000  }
0xac: {  	[hbm4b:s4+s3] =	stream.linear.scatter [tilespmem:s11], [sflag:$0x9], $0x4000, $0x38;
	[tilespmem:$0x1D000] =	vst v63  }
0xad: {  	_ =	swait.ge [sflag:s17], $0x4000  }
0xae: {  	s7 =	sld [smem:$0x7DC]  }
0xaf: {  	[sflag:s17] =	ssyncset.done $0x0  }
0xb0: {  	s5 =	rddreg [dreg:$0x1a];
	[sflag:s17] =	ssyncadd.s32 $0xFFFFC000  }
0xb1: {  	[tilespmem:s10], [sflag:$0x1] =	stream.indirect.gather [hbm4b:s5+s9], $0x80, s7, s9, $0xb8;
	[tilespmem:$0x1D000] =	vst v63  }
0xb2: {  	_ =	swait.ge [sflag:s21], $0x4000  }
0xb3: {  	[sflag:s21] =	ssyncset.done $0x0  }
0xb4: {  	s2 =	rddreg [dreg:$0x1b];
	[sflag:s21] =	ssyncadd.s32 $0xFFFFC000  }
0xb5: {  	[hbm4b:s2+s3] =	stream.linear.scatter [tilespmem:s12], [sflag:$0xA], $0x4000, $0x38;
	[tilespmem:$0x1D000] =	vst v63  }
0xb6: {  	_ =	swait.ge [sflag:s20], $0x4000  }
0xb7: {  	s5 =	sld [smem:$0x7DD]  }
0xb8: {  	[sflag:s20] =	ssyncset.done $0x0  }
0xb9: {  	s4 =	rddreg [dreg:$0x1c];
	[sflag:s20] =	ssyncadd.s32 $0xFFFFC000  }
0xba: {  	[tilespmem:s11], [sflag:$0x2] =	stream.indirect.gather [hbm4b:s4+s9], $0x80, s5, s9, $0xb8;
	[tilespmem:$0x1D000] =	vst v63  }
0xbb: {  	_ =	swait.ge [sflag:s23], $0x4000  }
0xbc: {  	[sflag:s23] =	ssyncset.done $0x0  }
0xbd: {  	s7 =	rddreg [dreg:$0x1d];
	[sflag:s23] =	ssyncadd.s32 $0xFFFFC000  }
0xbe: {  	[hbm4b:s7+s3] =	stream.linear.scatter [tilespmem:s13], [sflag:$0xB], $0x4000, $0x38;
	[tilespmem:$0x1D000] =	vst v63  }
0xbf: {  	_ =	swait.ge [sflag:s22], $0x4000  }
0xc0: {  	s2 =	sld [smem:$0x7DE]  }
0xc1: {  	[sflag:s22] =	ssyncset.done $0x0  }
0xc2: {  	s1 =	rddreg [dreg:$0x1e];
	[sflag:s22] =	ssyncadd.s32 $0xFFFFC000  }
0xc3: {  	[tilespmem:s12], [sflag:$0x3] =	stream.indirect.gather [hbm4b:s1+s9], $0x80, s2, s9, $0xb8;
	[tilespmem:$0x1D000] =	vst v63  }
0xc4: {  	_ =	swait.ge [sflag:s26], $0x4000  }
0xc5: {  	[sflag:s26] =	ssyncset.done $0x0  }
0xc6: {  	s4 =	rddreg [dreg:$0x1f];
	[sflag:s26] =	ssyncadd.s32 $0xFFFFC000  }
0xc7: {  	[hbm4b:s4+s3] =	stream.linear.scatter [tilespmem:s14], [sflag:$0xC], $0x4000, $0x38;
	[tilespmem:$0x1D000] =	vst v63  }
0xc8: {  	_ =	swait.ge [sflag:s24], $0x4000  }
0xc9: {  	s5 =	sld [smem:$0x7DF]  }
0xca: {  	s7 =	sld [smem:$0x7E0]  }
0xcb: {  	[sflag:s24] =	ssyncset.done $0x0  }
0xcc: {  	[sflag:s24] =	ssyncadd.s32 $0xFFFFC000  }
0xcd: {  	[tilespmem:s13], [sflag:$0x4] =	stream.indirect.gather [hbm4b:s5+s9], $0x80, s7, s9, $0xb8;
	[tilespmem:$0x1D000] =	vst v63  }
0xce: {  	_ =	swait.ge [sflag:s28], $0x4000  }
0xcf: {  	s2 =	sld [smem:$0x7E1]  }
0xd0: {  	[sflag:s28] =	ssyncset.done $0x0  }
0xd1: {  	[sflag:s28] =	ssyncadd.s32 $0xFFFFC000  }
0xd2: {  	[hbm4b:s2+s3] =	stream.linear.scatter [tilespmem:s15], [sflag:$0xD], $0x4000, $0x38;
	[tilespmem:$0x1D000] =	vst v63  }
0xd3: {  	_ =	swait.ge [sflag:s25], $0x4000  }
0xd4: {  	s4 =	sld [smem:$0x7E2]  }
0xd5: {  	s5 =	sld [smem:$0x7E3]  }
0xd6: {  	[sflag:s25] =	ssyncset.done $0x0  }
0xd7: {  	[sflag:s25] =	ssyncadd.s32 $0xFFFFC000  }
0xd8: {  	[tilespmem:s14], [sflag:$0x5] =	stream.indirect.gather [hbm4b:s4+s9], $0x80, s5, s9, $0xb8;
	[tilespmem:$0x1D000] =	vst v63  }
0xd9: {  	_ =	swait.ge [sflag:s29], $0x4000  }
0xda: {  	s7 =	sld [smem:$0x7E4]  }
0xdb: {  	[sflag:s29] =	ssyncset.done $0x0  }
0xdc: {  	[sflag:s29] =	ssyncadd.s32 $0xFFFFC000  }
0xdd: {  	[hbm4b:s7+s3] =	stream.linear.scatter [tilespmem:s18], [sflag:$0xE], $0x4000, $0x38;
	[tilespmem:$0x1D000] =	vst v63  }
0xde: {  	_ =	swait.ge [sflag:s30], $0x4000  }
0xdf: {  	s1 =	sld [smem:$0x7E5]  }
0xe0: {  	s2 =	sld [smem:$0x7E6]  }
0xe1: {  	[sflag:s30] =	ssyncset.done $0x0  }
0xe2: {  	[sflag:s30] =	ssyncadd.s32 $0xFFFFC000  }
0xe3: {  	[tilespmem:s15], [sflag:$0x6] =	stream.indirect.gather [hbm4b:s1+s9], $0x80, s2, s9, $0xb8;
	[tilespmem:$0x1D000] =	vst v63  }
0xe4: {  	_ =	swait.ge [sflag:s16], $0x4000  }
0xe5: {  	s4 =	sld [smem:$0x7E7]  }
0xe6: {  	[sflag:s16] =	ssyncset.done $0x0  }
0xe7: {  	[sflag:s16] =	ssyncadd.s32 $0xFFFFC000  }
0xe8: {  	[hbm4b:s4+s3] =	stream.linear.scatter [tilespmem:s10], [sflag:$0x8], $0x4000, $0x38;
	[tilespmem:$0x1D000] =	vst v63  }
0xe9: {  	_ =	swait.ge [sflag:s31], $0x4000  }
0xea: {  	s5 =	sld [smem:$0x7E8]  }
0xeb: {  	s7 =	sld [smem:$0x7E9]  }
0xec: {  	[sflag:s31] =	ssyncset.done $0x0  }
0xed: {  	[sflag:s31] =	ssyncadd.s32 $0xFFFFC000  }
0xee: {  	[tilespmem:s18], [sflag:$0x7] =	stream.indirect.gather [hbm4b:s5+s9], $0x80, s7, s9, $0xb8;
	[tilespmem:$0x1D000] =	vst v63  }
0xef: {  	_ =	swait.ge [sflag:s19], $0x4000  }
0xf0: {  	s2 =	sld [smem:$0x7EA]  }
0xf1: {  	[sflag:s19] =	ssyncset.done $0x0  }
0xf2: {  	[sflag:s19] =	ssyncadd.s32 $0xFFFFC000  }
0xf3: {  	[hbm4b:s2+s3] =	stream.linear.scatter [tilespmem:s11], [sflag:$0x9], $0x4000, $0x38;
	[tilespmem:$0x1D000] =	vst v63  }
0xf4: {  	_ =	swait.ge [sflag:s17], $0x4000  }
0xf5: {  	s4 =	sld [smem:$0x7EB]  }
0xf6: {  	s5 =	sld [smem:$0x7EC]  }
0xf7: {  	[sflag:s17] =	ssyncset.done $0x0  }
0xf8: {  	[sflag:s17] =	ssyncadd.s32 $0xFFFFC000  }
0xf9: {  	[tilespmem:s10], [sflag:$0x1] =	stream.indirect.gather [hbm4b:s4+s9], $0x80, s5, s9, $0xb8;
	[tilespmem:$0x1D000] =	vst v63  }
0xfa: {  	_ =	swait.ge [sflag:s21], $0x4000  }
0xfb: {  	s7 =	sld [smem:$0x7ED]  }
0xfc: {  	[sflag:s21] =	ssyncset.done $0x0  }
0xfd: {  	[sflag:s21] =	ssyncadd.s32 $0xFFFFC000  }
0xfe: {  	[hbm4b:s7+s3] =	stream.linear.scatter [tilespmem:s12], [sflag:$0xA], $0x4000, $0x38;
	[tilespmem:$0x1D000] =	vst v63  }
0xff: {  	_ =	swait.ge [sflag:s20], $0x4000  }
0x100: {  	s1 =	sld [smem:$0x7EE]  }
0x101: {  	s2 =	sld [smem:$0x7EF]  }
0x102: {  	[sflag:s20] =	ssyncset.done $0x0  }
0x103: {  	[sflag:s20] =	ssyncadd.s32 $0xFFFFC000  }
0x104: {  	[tilespmem:s11], [sflag:$0x2] =	stream.indirect.gather [hbm4b:s1+s9], $0x80, s2, s9, $0xb8;
	[tilespmem:$0x1D000] =	vst v63  }
0x105: {  	_ =	swait.ge [sflag:s23], $0x4000  }
0x106: {  	s4 =	sld [smem:$0x7F0]  }
0x107: {  	[sflag:s23] =	ssyncset.done $0x0  }
0x108: {  	[sflag:s23] =	ssyncadd.s32 $0xFFFFC000  }
0x109: {  	[hbm4b:s4+s3] =	stream.linear.scatter [tilespmem:s13], [sflag:$0xB], $0x4000, $0x38;
	[tilespmem:$0x1D000] =	vst v63  }
0x10a: {  	_ =	swait.ge [sflag:s22], $0x4000  }
0x10b: {  	s5 =	sld [smem:$0x7F1]  }
0x10c: {  	s7 =	sld [smem:$0x7F2]  }
0x10d: {  	[sflag:s22] =	ssyncset.done $0x0  }
0x10e: {  	[sflag:s22] =	ssyncadd.s32 $0xFFFFC000  }
0x10f: {  	[tilespmem:s12], [sflag:$0x3] =	stream.indirect.gather [hbm4b:s5+s9], $0x80, s7, s9, $0xb8;
	[tilespmem:$0x1D000] =	vst v63  }
0x110: {  	_ =	swait.ge [sflag:s26], $0x4000  }
0x111: {  	s2 =	sld [smem:$0x7F3]  }
0x112: {  	[sflag:s26] =	ssyncset.done $0x0  }
0x113: {  	[sflag:s26] =	ssyncadd.s32 $0xFFFFC000  }
0x114: {  	[hbm4b:s2+s3] =	stream.linear.scatter [tilespmem:s14], [sflag:$0xC], $0x4000, $0x38;
	[tilespmem:$0x1D000] =	vst v63  }
0x115: {  	_ =	swait.ge [sflag:s24], $0x4000  }
0x116: {  	s4 =	sld [smem:$0x7F4]  }
0x117: {  	[sflag:s24] =	ssyncset.done $0x0  }
0x118: {  	[sflag:s24] =	ssyncadd.s32 $0xFFFFC000  }
0x119: {  	[tilespmem:s13], [sflag:$0x4] =	stream.indirect.gather [hbm4b:s4+s9], $0x80, s6, s9, $0xb8;
	[tilespmem:$0x1D000] =	vst v63  }
0x11a: {  	_ =	swait.ge [sflag:s28], $0x4000  }
0x11b: {  	s5 =	sld [smem:$0x7F5]  }
0x11c: {  	[sflag:s28] =	ssyncset.done $0x0  }
0x11d: {  	[sflag:s28] =	ssyncadd.s32 $0xFFFFC000  }
0x11e: {  	[hbm4b:s5+s3] =	stream.linear.scatter [tilespmem:s15], [sflag:$0xD], $0x4000, $0x38;
	[tilespmem:$0x1D000] =	vst v63  }
0x11f: {  	_ =	swait.ge [sflag:s25], $0x4000  }
0x120: {  	s6 =	sld [smem:$0x7F6]  }
0x121: {  	s7 =	sld [smem:$0x7F7]  }
0x122: {  	[sflag:s25] =	ssyncset.done $0x0  }
0x123: {  	[sflag:s25] =	ssyncadd.s32 $0xFFFFC000  }
0x124: {  	[tilespmem:s14], [sflag:$0x5] =	stream.indirect.gather [hbm4b:s6+s9], $0x80, s7, s9, $0xb8;
	[tilespmem:$0x1D000] =	vst v63  }
0x125: {  	_ =	swait.ge [sflag:s29], $0x4000  }
0x126: {  	s1 =	sld [smem:$0x7F8]  }
0x127: {  	[sflag:s29] =	ssyncset.done $0x0  }
0x128: {  	[sflag:s29] =	ssyncadd.s32 $0xFFFFC000  }
0x129: {  	[hbm4b:s1+s3] =	stream.linear.scatter [tilespmem:s18], [sflag:$0xE], $0x4000, $0x38;
	[tilespmem:$0x1D000] =	vst v63  }
0x12a: {  	_ =	swait.ge [sflag:s16], $0x4000  }
0x12b: {  	s2 =	sld [smem:$0x7F9]  }
0x12c: {  	[sflag:s16] =	ssyncset.done $0x0  }
0x12d: {  	[sflag:s16] =	ssyncadd.s32 $0xFFFFC000  }
0x12e: {  	[hbm4b:s2+s3] =	stream.linear.scatter [tilespmem:s10], [sflag:$0x8], $0x4000, $0x38;
	[tilespmem:$0x1D000] =	vst v63  }
0x12f: {  	_ =	swait.ge [sflag:s19], $0x4000  }
0x130: {  	s4 =	sld [smem:$0x7FA]  }
0x131: {  	[sflag:s19] =	ssyncset.done $0x0  }
0x132: {  	[sflag:s19] =	ssyncadd.s32 $0xFFFFC000  }
0x133: {  	[hbm4b:s4+s3] =	stream.linear.scatter [tilespmem:s11], [sflag:$0x9], $0x4000, $0x38;
	[tilespmem:$0x1D000] =	vst v63  }
0x134: {  	_ =	swait.ge [sflag:s21], $0x4000  }
0x135: {  	s5 =	sld [smem:$0x7FB]  }
0x136: {  	s6 =	ssub.s32 $0x2, s8;
	[sflag:s21] =	ssyncset.done $0x0  }
0x137: {  	s8 =	sshrl.u32 s6, $0x1;
	[sflag:s21] =	ssyncadd.s32 $0xFFFFC000  }
0x138: {  	[hbm4b:s5+s3] =	stream.linear.scatter [tilespmem:s12], [sflag:$0xA], $0x4000, $0x38;
	[tilespmem:$0x1D000] =	vst v63  }
0x139: {  	s0 =	ssub.s32 s6, s8;
	_ =	swait.ge [sflag:s23], $0x4000  }
0x13a: {  	s0 =	smax.u32 s0, $0x1;
	s7 =	sld [smem:$0x7FC]  }
0x13b: {  	p0 =	sne.s32 s0, $0x1;
	[sflag:s23] =	ssyncset.done $0x0  }
.Ltmp0:
0x13c: {  	[sflag:s23] =	ssyncadd.s32 $0xFFFFC000;
	(pc) =	sbr.rel @!p0 .LBB2_3-.Ltmp0, $4  }
0x13d: {  	[hbm4b:s7+s3] =	stream.linear.scatter [tilespmem:s13], [sflag:$0xB], $0x4000, $0x38;
	[tilespmem:$0x1D000] =	vst v63  }
0x13e: {  	_ =	swait.ge [sflag:s26], $0x4000  }
0x13f: {  	[sflag:s26] =	ssyncset.done $0x0  }
0x140: {  	s1 =	sadd.s32 $0xFFFFFFFF, s0;
	s0 =	sld [smem:$0x7FD];
	[sflag:s26] =	ssyncadd.s32 $0xFFFFC000  }
0x141: {  	s8 =	simm.s32 $0x400  }
.LBB2_2:
0x142: {  	_ =	sdelay $0x1  }
0x143: {  	[hbm4b:s0+s3] =	stream.linear.scatter [tilespmem:s14], [sflag:$0xC], $0x4000, $0x38;
	[tilespmem:$0x1D000] =	vst v63  }
0x144: {  	_ =	swait.ge [sflag:s30], $0x4000  }
0x145: {  	[sflag:s30] =	ssyncset.done $0x0  }
0x146: {  	[sflag:s30] =	ssyncadd.s32 $0xFFFFC000  }
0x147: {  	_ =	swait.ge [sflag:s31], $0x4000  }
0x148: {  	[sflag:s31] =	ssyncset.done $0x0  }
0x149: {  	[sflag:s31] =	ssyncadd.s32 $0xFFFFC000  }
0x14a: {  	_ =	swait.ge [sflag:s17], $0x4000  }
0x14b: {  	[sflag:s17] =	ssyncset.done $0x0  }
0x14c: {  	[sflag:s17] =	ssyncadd.s32 $0xFFFFC000  }
0x14d: {  	_ =	swait.ge [sflag:s20], $0x4000  }
0x14e: {  	[sflag:s20] =	ssyncset.done $0x0  }
0x14f: {  	[sflag:s20] =	ssyncadd.s32 $0xFFFFC000  }
0x150: {  	_ =	swait.ge [sflag:s22], $0x4000  }
0x151: {  	[sflag:s22] =	ssyncset.done $0x0  }
0x152: {  	[sflag:s22] =	ssyncadd.s32 $0xFFFFC000  }
0x153: {  	_ =	swait.ge [sflag:s24], $0x4000  }
0x154: {  	[sflag:s24] =	ssyncset.done $0x0  }
0x155: {  	[sflag:s24] =	ssyncadd.s32 $0xFFFFC000  }
0x156: {  	_ =	swait.ge [sflag:s25], $0x4000  }
0x157: {  	s7 =	sld [smem:$0x7CE]  }
0x158: {  	s4 =	sld [smem:$0x7CF]  }
0x159: {  	[sflag:s25] =	ssyncset.done $0x0  }
0x15a: {  	[sflag:s25] =	ssyncadd.s32 $0xFFFFC000  }
0x15b: {  	[tilespmem:s3], [sflag:$0xF] =	stream.strided.gather [hbm4b:s4+s8], $0xC00, s7, s8, $0x38;
	[tilespmem:$0x1D000] =	vst v63  }
0x15c: {  	s5 =	simm.s32 $0xF;
	s2 =	rddreg [dreg:$0x4];
	s4 =	simm.s32 $0xC00  }
0x15d: {  	[tilespmem:s4], [sflag:$0xF] =	stream.linear.gather [hbm4b:s2+s3], $0x100, $0x38;
	[tilespmem:$0x1D000] =	vst v63  }
0x15e: {  	_ =	swait.ge [sflag:s5], $0xD00  }
0x15f: {  	s0 =	sld [smem:$0x7D0]  }
0x160: {  	s2 =	rddreg [dreg:$0x6]  }
0x161: {  	[sflag:s5] =	ssyncset.done $0x0;
	s4 =	rddreg [dreg:$0x5]  }
0x162: {  	s7 =	sld [smem:$0x7D2];
	[sflag:s5] =	ssyncadd.s32 $0xFFFFF300  }
0x163: {  	s6 =	rddreg [dreg:$0x0]  }
0x164: {  	[tilespmem:s10], [sflag:$0x1] =	stream.indirect.gather [hbm4b:s6+s9], $0x80, s3, s9, $0xb8;
	[tilespmem:$0x1D000] =	vst v63  }
0x165: {  	s5 =	sld [smem:$0x7D1]  }
0x166: {  	[tilespmem:s11], [sflag:$0x2] =	stream.indirect.gather [hbm4b:s4+s9], $0x80, s9, s9, $0xb8;
	[tilespmem:$0x1D000] =	vst v63  }
0x167: {  	s6 =	rddreg [dreg:$0x7]  }
0x168: {  	[tilespmem:s12], [sflag:$0x3] =	stream.indirect.gather [hbm4b:s2+s9], $0x80, s5, s9, $0xb8;
	[tilespmem:$0x1D000] =	vst v63  }
0x169: {  	s4 =	rddreg [dreg:$0x8]  }
0x16a: {  	[tilespmem:s13], [sflag:$0x4] =	stream.indirect.gather [hbm4b:s6+s9], $0x80, s7, s9, $0xb8;
	[tilespmem:$0x1D000] =	vst v63  }
0x16b: {  	s7 =	sld [smem:$0x7D3]  }
0x16c: {  	[tilespmem:s14], [sflag:$0x5] =	stream.indirect.gather [hbm4b:s4+s9], $0x80, s0, s9, $0xb8;
	[tilespmem:$0x1D000] =	vst v63  }
0x16d: {  	s5 =	rddreg [dreg:$0x9]  }
0x16e: {  	[tilespmem:s15], [sflag:$0x6] =	stream.indirect.gather [hbm4b:s5+s9], $0x80, s7, s9, $0xb8;
	[tilespmem:$0x1D000] =	vst v63  }
0x16f: {  	_ =	swait.ge [sflag:s16], $0x4000  }
0x170: {  	s6 =	sld [smem:$0x7D5]  }
0x171: {  	[sflag:s16] =	ssyncset.done $0x0  }
0x172: {  	s5 =	sld [smem:$0x7D4];
	[sflag:s16] =	ssyncadd.s32 $0xFFFFC000  }
0x173: {  	[hbm4b:s6+s3] =	stream.linear.scatter [tilespmem:s10], [sflag:$0x8], $0x4000, $0x38;
	[tilespmem:$0x1D000] =	vst v63  }
0x174: {  	s2 =	rddreg [dreg:$0xa]  }
0x175: {  	[tilespmem:s18], [sflag:$0x7] =	stream.indirect.gather [hbm4b:s2+s9], $0x80, s5, s9, $0xb8;
	[tilespmem:$0x1D000] =	vst v63  }
0x176: {  	_ =	swait.ge [sflag:s19], $0x4000  }
0x177: {  	[sflag:s19] =	ssyncset.done $0x0  }
0x178: {  	s7 =	rddreg [dreg:$0xb];
	[sflag:s19] =	ssyncadd.s32 $0xFFFFC000  }
0x179: {  	[hbm4b:s7+s3] =	stream.linear.scatter [tilespmem:s11], [sflag:$0x9], $0x4000, $0x38;
	[tilespmem:$0x1D000] =	vst v63  }
0x17a: {  	_ =	swait.ge [sflag:s17], $0x4000  }
0x17b: {  	s4 =	sld [smem:$0x7D6]  }
0x17c: {  	[sflag:s17] =	ssyncset.done $0x0  }
0x17d: {  	s2 =	rddreg [dreg:$0xc];
	[sflag:s17] =	ssyncadd.s32 $0xFFFFC000  }
0x17e: {  	[tilespmem:s10], [sflag:$0x1] =	stream.indirect.gather [hbm4b:s2+s9], $0x80, s4, s9, $0xb8;
	[tilespmem:$0x1D000] =	vst v63  }
0x17f: {  	_ =	swait.ge [sflag:s21], $0x4000  }
0x180: {  	[sflag:s21] =	ssyncset.done $0x0  }
0x181: {  	s5 =	rddreg [dreg:$0xd];
	[sflag:s21] =	ssyncadd.s32 $0xFFFFC000  }
0x182: {  	[hbm4b:s5+s3] =	stream.linear.scatter [tilespmem:s12], [sflag:$0xA], $0x4000, $0x38;
	[tilespmem:$0x1D000] =	vst v63  }
0x183: {  	_ =	swait.ge [sflag:s20], $0x4000  }
0x184: {  	[sflag:s20] =	ssyncset.done $0x0  }
0x185: {  	s6 =	rddreg [dreg:$0xe];
	[sflag:s20] =	ssyncadd.s32 $0xFFFFC000  }
0x186: {  	[tilespmem:s11], [sflag:$0x2] =	stream.indirect.gather [hbm4b:s6+s9], $0x80, s8, s9, $0xb8;
	[tilespmem:$0x1D000] =	vst v63  }
0x187: {  	_ =	swait.ge [sflag:s23], $0x4000  }
0x188: {  	[sflag:s23] =	ssyncset.done $0x0  }
0x189: {  	s7 =	rddreg [dreg:$0xf];
	[sflag:s23] =	ssyncadd.s32 $0xFFFFC000  }
0x18a: {  	[hbm4b:s7+s3] =	stream.linear.scatter [tilespmem:s13], [sflag:$0xB], $0x4000, $0x38;
	[tilespmem:$0x1D000] =	vst v63  }
0x18b: {  	_ =	swait.ge [sflag:s22], $0x4000  }
0x18c: {  	s4 =	sld [smem:$0x7D7]  }
0x18d: {  	[sflag:s22] =	ssyncset.done $0x0  }
0x18e: {  	s2 =	rddreg [dreg:$0x10];
	[sflag:s22] =	ssyncadd.s32 $0xFFFFC000  }
0x18f: {  	[tilespmem:s12], [sflag:$0x3] =	stream.indirect.gather [hbm4b:s2+s9], $0x80, s4, s9, $0xb8;
	[tilespmem:$0x1D000] =	vst v63  }
0x190: {  	_ =	swait.ge [sflag:s26], $0x4000  }
0x191: {  	[sflag:s26] =	ssyncset.done $0x0  }
0x192: {  	s5 =	rddreg [dreg:$0x11];
	[sflag:s26] =	ssyncadd.s32 $0xFFFFC000  }
0x193: {  	[hbm4b:s5+s3] =	stream.linear.scatter [tilespmem:s14], [sflag:$0xC], $0x4000, $0x38;
	[tilespmem:$0x1D000] =	vst v63  }
0x194: {  	_ =	swait.ge [sflag:s24], $0x4000  }
0x195: {  	s7 =	sld [smem:$0x7D8]  }
0x196: {  	[sflag:s24] =	ssyncset.done $0x0  }
0x197: {  	s6 =	rddreg [dreg:$0x12];
	[sflag:s24] =	ssyncadd.s32 $0xFFFFC000  }
0x198: {  	[tilespmem:s13], [sflag:$0x4] =	stream.indirect.gather [hbm4b:s6+s9], $0x80, s7, s9, $0xb8;
	[tilespmem:$0x1D000] =	vst v63  }
0x199: {  	_ =	swait.ge [sflag:s28], $0x4000  }
0x19a: {  	[sflag:s28] =	ssyncset.done $0x0  }
0x19b: {  	s4 =	rddreg [dreg:$0x13];
	[sflag:s28] =	ssyncadd.s32 $0xFFFFC000  }
0x19c: {  	[hbm4b:s4+s3] =	stream.linear.scatter [tilespmem:s15], [sflag:$0xD], $0x4000, $0x38;
	[tilespmem:$0x1D000] =	vst v63  }
0x19d: {  	_ =	swait.ge [sflag:s25], $0x4000  }
0x19e: {  	s6 =	sld [smem:$0x7D9]  }
0x19f: {  	[sflag:s25] =	ssyncset.done $0x0  }
0x1a0: {  	s5 =	rddreg [dreg:$0x14];
	[sflag:s25] =	ssyncadd.s32 $0xFFFFC000  }
0x1a1: {  	[tilespmem:s14], [sflag:$0x5] =	stream.indirect.gather [hbm4b:s5+s9], $0x80, s6, s9, $0xb8;
	[tilespmem:$0x1D000] =	vst v63  }
0x1a2: {  	_ =	swait.ge [sflag:s29], $0x4000  }
0x1a3: {  	[sflag:s29] =	ssyncset.done $0x0  }
0x1a4: {  	s7 =	rddreg [dreg:$0x15];
	[sflag:s29] =	ssyncadd.s32 $0xFFFFC000  }
0x1a5: {  	[hbm4b:s7+s3] =	stream.linear.scatter [tilespmem:s18], [sflag:$0xE], $0x4000, $0x38;
	[tilespmem:$0x1D000] =	vst v63  }
0x1a6: {  	_ =	swait.ge [sflag:s30], $0x4000  }
0x1a7: {  	s4 =	sld [smem:$0x7DA]  }
0x1a8: {  	[sflag:s30] =	ssyncset.done $0x0  }
0x1a9: {  	s2 =	rddreg [dreg:$0x16];
	[sflag:s30] =	ssyncadd.s32 $0xFFFFC000  }
0x1aa: {  	[tilespmem:s15], [sflag:$0x6] =	stream.indirect.gather [hbm4b:s2+s9], $0x80, s4, s9, $0xb8;
	[tilespmem:$0x1D000] =	vst v63  }
0x1ab: {  	_ =	swait.ge [sflag:s16], $0x4000  }
0x1ac: {  	[sflag:s16] =	ssyncset.done $0x0  }
0x1ad: {  	s5 =	rddreg [dreg:$0x17];
	[sflag:s16] =	ssyncadd.s32 $0xFFFFC000  }
0x1ae: {  	[hbm4b:s5+s3] =	stream.linear.scatter [tilespmem:s10], [sflag:$0x8], $0x4000, $0x38;
	[tilespmem:$0x1D000] =	vst v63  }
0x1af: {  	_ =	swait.ge [sflag:s31], $0x4000  }
0x1b0: {  	s7 =	sld [smem:$0x7DB]  }
0x1b1: {  	[sflag:s31] =	ssyncset.done $0x0  }
0x1b2: {  	s6 =	rddreg [dreg:$0x18];
	[sflag:s31] =	ssyncadd.s32 $0xFFFFC000  }
0x1b3: {  	[tilespmem:s18], [sflag:$0x7] =	stream.indirect.gather [hbm4b:s6+s9], $0x80, s7, s9, $0xb8;
	[tilespmem:$0x1D000] =	vst v63  }
0x1b4: {  	_ =	swait.ge [sflag:s19], $0x4000  }
0x1b5: {  	[sflag:s19] =	ssyncset.done $0x0  }
0x1b6: {  	s4 =	rddreg [dreg:$0x19];
	[sflag:s19] =	ssyncadd.s32 $0xFFFFC000  }
0x1b7: {  	[hbm4b:s4+s3] =	stream.linear.scatter [tilespmem:s11], [sflag:$0x9], $0x4000, $0x38;
	[tilespmem:$0x1D000] =	vst v63  }
0x1b8: {  	_ =	swait.ge [sflag:s17], $0x4000  }
0x1b9: {  	s6 =	sld [smem:$0x7DC]  }
0x1ba: {  	[sflag:s17] =	ssyncset.done $0x0  }
0x1bb: {  	s5 =	rddreg [dreg:$0x1a];
	[sflag:s17] =	ssyncadd.s32 $0xFFFFC000  }
0x1bc: {  	[tilespmem:s10], [sflag:$0x1] =	stream.indirect.gather [hbm4b:s5+s9], $0x80, s6, s9, $0xb8;
	[tilespmem:$0x1D000] =	vst v63  }
0x1bd: {  	_ =	swait.ge [sflag:s21], $0x4000  }
0x1be: {  	[sflag:s21] =	ssyncset.done $0x0  }
0x1bf: {  	s7 =	rddreg [dreg:$0x1b];
	[sflag:s21] =	ssyncadd.s32 $0xFFFFC000  }
0x1c0: {  	[hbm4b:s7+s3] =	stream.linear.scatter [tilespmem:s12], [sflag:$0xA], $0x4000, $0x38;
	[tilespmem:$0x1D000] =	vst v63  }
0x1c1: {  	_ =	swait.ge [sflag:s20], $0x4000  }
0x1c2: {  	s4 =	sld [smem:$0x7DD]  }
0x1c3: {  	[sflag:s20] =	ssyncset.done $0x0  }
0x1c4: {  	s2 =	rddreg [dreg:$0x1c];
	[sflag:s20] =	ssyncadd.s32 $0xFFFFC000  }
0x1c5: {  	[tilespmem:s11], [sflag:$0x2] =	stream.indirect.gather [hbm4b:s2+s9], $0x80, s4, s9, $0xb8;
	[tilespmem:$0x1D000] =	vst v63  }
0x1c6: {  	_ =	swait.ge [sflag:s23], $0x4000  }
0x1c7: {  	[sflag:s23] =	ssyncset.done $0x0  }
0x1c8: {  	s5 =	rddreg [dreg:$0x1d];
	[sflag:s23] =	ssyncadd.s32 $0xFFFFC000  }
0x1c9: {  	[hbm4b:s5+s3] =	stream.linear.scatter [tilespmem:s13], [sflag:$0xB], $0x4000, $0x38;
	[tilespmem:$0x1D000] =	vst v63  }
0x1ca: {  	_ =	swait.ge [sflag:s22], $0x4000  }
0x1cb: {  	s7 =	sld [smem:$0x7DE]  }
0x1cc: {  	[sflag:s22] =	ssyncset.done $0x0  }
0x1cd: {  	s6 =	rddreg [dreg:$0x1e];
	[sflag:s22] =	ssyncadd.s32 $0xFFFFC000  }
0x1ce: {  	[tilespmem:s12], [sflag:$0x3] =	stream.indirect.gather [hbm4b:s6+s9], $0x80, s7, s9, $0xb8;
	[tilespmem:$0x1D000] =	vst v63  }
0x1cf: {  	_ =	swait.ge [sflag:s26], $0x4000  }
0x1d0: {  	[sflag:s26] =	ssyncset.done $0x0  }
0x1d1: {  	s4 =	rddreg [dreg:$0x1f];
	[sflag:s26] =	ssyncadd.s32 $0xFFFFC000  }
0x1d2: {  	[hbm4b:s4+s3] =	stream.linear.scatter [tilespmem:s14], [sflag:$0xC], $0x4000, $0x38;
	[tilespmem:$0x1D000] =	vst v63  }
0x1d3: {  	_ =	swait.ge [sflag:s24], $0x4000  }
0x1d4: {  	s5 =	sld [smem:$0x7DF]  }
0x1d5: {  	s6 =	sld [smem:$0x7E0]  }
0x1d6: {  	[sflag:s24] =	ssyncset.done $0x0  }
0x1d7: {  	[sflag:s24] =	ssyncadd.s32 $0xFFFFC000  }
0x1d8: {  	[tilespmem:s13], [sflag:$0x4] =	stream.indirect.gather [hbm4b:s5+s9], $0x80, s6, s9, $0xb8;
	[tilespmem:$0x1D000] =	vst v63  }
0x1d9: {  	_ =	swait.ge [sflag:s28], $0x4000  }
0x1da: {  	s7 =	sld [smem:$0x7E1]  }
0x1db: {  	[sflag:s28] =	ssyncset.done $0x0  }
0x1dc: {  	[sflag:s28] =	ssyncadd.s32 $0xFFFFC000  }
0x1dd: {  	[hbm4b:s7+s3] =	stream.linear.scatter [tilespmem:s15], [sflag:$0xD], $0x4000, $0x38;
	[tilespmem:$0x1D000] =	vst v63  }
0x1de: {  	_ =	swait.ge [sflag:s25], $0x4000  }
0x1df: {  	s2 =	sld [smem:$0x7E2]  }
0x1e0: {  	s4 =	sld [smem:$0x7E3]  }
0x1e1: {  	[sflag:s25] =	ssyncset.done $0x0  }
0x1e2: {  	[sflag:s25] =	ssyncadd.s32 $0xFFFFC000  }
0x1e3: {  	[tilespmem:s14], [sflag:$0x5] =	stream.indirect.gather [hbm4b:s2+s9], $0x80, s4, s9, $0xb8;
	[tilespmem:$0x1D000] =	vst v63  }
0x1e4: {  	_ =	swait.ge [sflag:s29], $0x4000  }
0x1e5: {  	s5 =	sld [smem:$0x7E4]  }
0x1e6: {  	[sflag:s29] =	ssyncset.done $0x0  }
0x1e7: {  	[sflag:s29] =	ssyncadd.s32 $0xFFFFC000  }
0x1e8: {  	[hbm4b:s5+s3] =	stream.linear.scatter [tilespmem:s18], [sflag:$0xE], $0x4000, $0x38;
	[tilespmem:$0x1D000] =	vst v63  }
0x1e9: {  	_ =	swait.ge [sflag:s30], $0x4000  }
0x1ea: {  	s6 =	sld [smem:$0x7E5]  }
0x1eb: {  	s7 =	sld [smem:$0x7E6]  }
0x1ec: {  	[sflag:s30] =	ssyncset.done $0x0  }
0x1ed: {  	[sflag:s30] =	ssyncadd.s32 $0xFFFFC000  }
0x1ee: {  	[tilespmem:s15], [sflag:$0x6] =	stream.indirect.gather [hbm4b:s6+s9], $0x80, s7, s9, $0xb8;
	[tilespmem:$0x1D000] =	vst v63  }
0x1ef: {  	_ =	swait.ge [sflag:s16], $0x4000  }
0x1f0: {  	s4 =	sld [smem:$0x7E7]  }
0x1f1: {  	[sflag:s16] =	ssyncset.done $0x0  }
0x1f2: {  	[sflag:s16] =	ssyncadd.s32 $0xFFFFC000  }
0x1f3: {  	[hbm4b:s4+s3] =	stream.linear.scatter [tilespmem:s10], [sflag:$0x8], $0x4000, $0x38;
	[tilespmem:$0x1D000] =	vst v63  }
0x1f4: {  	_ =	swait.ge [sflag:s31], $0x4000  }
0x1f5: {  	s5 =	sld [smem:$0x7E8]  }
0x1f6: {  	s6 =	sld [smem:$0x7E9]  }
0x1f7: {  	[sflag:s31] =	ssyncset.done $0x0  }
0x1f8: {  	[sflag:s31] =	ssyncadd.s32 $0xFFFFC000  }
0x1f9: {  	[tilespmem:s18], [sflag:$0x7] =	stream.indirect.gather [hbm4b:s5+s9], $0x80, s6, s9, $0xb8;
	[tilespmem:$0x1D000] =	vst v63  }
0x1fa: {  	_ =	swait.ge [sflag:s19], $0x4000  }
0x1fb: {  	s7 =	sld [smem:$0x7EA]  }
0x1fc: {  	[sflag:s19] =	ssyncset.done $0x0  }
0x1fd: {  	[sflag:s19] =	ssyncadd.s32 $0xFFFFC000  }
0x1fe: {  	[hbm4b:s7+s3] =	stream.linear.scatter [tilespmem:s11], [sflag:$0x9], $0x4000, $0x38;
	[tilespmem:$0x1D000] =	vst v63  }
0x1ff: {  	_ =	swait.ge [sflag:s17], $0x4000  }
0x200: {  	s2 =	sld [smem:$0x7EB]  }
0x201: {  	s4 =	sld [smem:$0x7EC]  }
0x202: {  	[sflag:s17] =	ssyncset.done $0x0  }
0x203: {  	[sflag:s17] =	ssyncadd.s32 $0xFFFFC000  }
0x204: {  	[tilespmem:s10], [sflag:$0x1] =	stream.indirect.gather [hbm4b:s2+s9], $0x80, s4, s9, $0xb8;
	[tilespmem:$0x1D000] =	vst v63  }
0x205: {  	_ =	swait.ge [sflag:s21], $0x4000  }
0x206: {  	s5 =	sld [smem:$0x7ED]  }
0x207: {  	[sflag:s21] =	ssyncset.done $0x0  }
0x208: {  	[sflag:s21] =	ssyncadd.s32 $0xFFFFC000  }
0x209: {  	[hbm4b:s5+s3] =	stream.linear.scatter [tilespmem:s12], [sflag:$0xA], $0x4000, $0x38;
	[tilespmem:$0x1D000] =	vst v63  }
0x20a: {  	_ =	swait.ge [sflag:s20], $0x4000  }
0x20b: {  	s6 =	sld [smem:$0x7EE]  }
0x20c: {  	s7 =	sld [smem:$0x7EF]  }
0x20d: {  	[sflag:s20] =	ssyncset.done $0x0  }
0x20e: {  	[sflag:s20] =	ssyncadd.s32 $0xFFFFC000  }
0x20f: {  	[tilespmem:s11], [sflag:$0x2] =	stream.indirect.gather [hbm4b:s6+s9], $0x80, s7, s9, $0xb8;
	[tilespmem:$0x1D000] =	vst v63  }
0x210: {  	_ =	swait.ge [sflag:s23], $0x4000  }
0x211: {  	s4 =	sld [smem:$0x7F0]  }
0x212: {  	[sflag:s23] =	ssyncset.done $0x0  }
0x213: {  	[sflag:s23] =	ssyncadd.s32 $0xFFFFC000  }
0x214: {  	[hbm4b:s4+s3] =	stream.linear.scatter [tilespmem:s13], [sflag:$0xB], $0x4000, $0x38;
	[tilespmem:$0x1D000] =	vst v63  }
0x215: {  	_ =	swait.ge [sflag:s22], $0x4000  }
0x216: {  	s5 =	sld [smem:$0x7F1]  }
0x217: {  	s6 =	sld [smem:$0x7F2]  }
0x218: {  	[sflag:s22] =	ssyncset.done $0x0  }
0x219: {  	[sflag:s22] =	ssyncadd.s32 $0xFFFFC000  }
0x21a: {  	[tilespmem:s12], [sflag:$0x3] =	stream.indirect.gather [hbm4b:s5+s9], $0x80, s6, s9, $0xb8;
	[tilespmem:$0x1D000] =	vst v63  }
0x21b: {  	_ =	swait.ge [sflag:s26], $0x4000  }
0x21c: {  	s7 =	sld [smem:$0x7F3]  }
0x21d: {  	[sflag:s26] =	ssyncset.done $0x0  }
0x21e: {  	[sflag:s26] =	ssyncadd.s32 $0xFFFFC000  }
0x21f: {  	[hbm4b:s7+s3] =	stream.linear.scatter [tilespmem:s14], [sflag:$0xC], $0x4000, $0x38;
	[tilespmem:$0x1D000] =	vst v63  }
0x220: {  	_ =	swait.ge [sflag:s24], $0x4000  }
0x221: {  	s2 =	sld [smem:$0x7F4]  }
0x222: {  	[sflag:s24] =	ssyncset.done $0x0  }
0x223: {  	s4 =	simm.s32 $0xC00;
	[sflag:s24] =	ssyncadd.s32 $0xFFFFC000  }
0x224: {  	[tilespmem:s13], [sflag:$0x4] =	stream.indirect.gather [hbm4b:s2+s9], $0x80, s4, s9, $0xb8;
	[tilespmem:$0x1D000] =	vst v63  }
0x225: {  	_ =	swait.ge [sflag:s28], $0x4000  }
0x226: {  	s5 =	sld [smem:$0x7F5]  }
0x227: {  	[sflag:s28] =	ssyncset.done $0x0  }
0x228: {  	[sflag:s28] =	ssyncadd.s32 $0xFFFFC000  }
0x229: {  	[hbm4b:s5+s3] =	stream.linear.scatter [tilespmem:s15], [sflag:$0xD], $0x4000, $0x38;
	[tilespmem:$0x1D000] =	vst v63  }
0x22a: {  	_ =	swait.ge [sflag:s25], $0x4000  }
0x22b: {  	s6 =	sld [smem:$0x7F6]  }
0x22c: {  	s7 =	sld [smem:$0x7F7]  }
0x22d: {  	[sflag:s25] =	ssyncset.done $0x0  }
0x22e: {  	[sflag:s25] =	ssyncadd.s32 $0xFFFFC000  }
0x22f: {  	[tilespmem:s14], [sflag:$0x5] =	stream.indirect.gather [hbm4b:s6+s9], $0x80, s7, s9, $0xb8;
	[tilespmem:$0x1D000] =	vst v63  }
0x230: {  	_ =	swait.ge [sflag:s29], $0x4000  }
0x231: {  	s2 =	sld [smem:$0x7F8]  }
0x232: {  	[sflag:s29] =	ssyncset.done $0x0  }
0x233: {  	[sflag:s29] =	ssyncadd.s32 $0xFFFFC000  }
0x234: {  	[hbm4b:s2+s3] =	stream.linear.scatter [tilespmem:s18], [sflag:$0xE], $0x4000, $0x38;
	[tilespmem:$0x1D000] =	vst v63  }
0x235: {  	_ =	swait.ge [sflag:s16], $0x4000  }
0x236: {  	s4 =	sld [smem:$0x7F9]  }
0x237: {  	[sflag:s16] =	ssyncset.done $0x0  }
0x238: {  	[sflag:s16] =	ssyncadd.s32 $0xFFFFC000  }
0x239: {  	[hbm4b:s4+s3] =	stream.linear.scatter [tilespmem:s10], [sflag:$0x8], $0x4000, $0x38;
	[tilespmem:$0x1D000] =	vst v63  }
0x23a: {  	_ =	swait.ge [sflag:s19], $0x4000  }
0x23b: {  	s5 =	sld [smem:$0x7FA]  }
0x23c: {  	[sflag:s19] =	ssyncset.done $0x0  }
0x23d: {  	[sflag:s19] =	ssyncadd.s32 $0xFFFFC000  }
0x23e: {  	[hbm4b:s5+s3] =	stream.linear.scatter [tilespmem:s11], [sflag:$0x9], $0x4000, $0x38;
	[tilespmem:$0x1D000] =	vst v63  }
0x23f: {  	_ =	swait.ge [sflag:s21], $0x4000  }
0x240: {  	s6 =	sld [smem:$0x7FB]  }
0x241: {  	[sflag:s21] =	ssyncset.done $0x0  }
0x242: {  	[sflag:s21] =	ssyncadd.s32 $0xFFFFC000  }
0x243: {  	[hbm4b:s6+s3] =	stream.linear.scatter [tilespmem:s12], [sflag:$0xA], $0x4000, $0x38;
	[tilespmem:$0x1D000] =	vst v63  }
0x244: {  	_ =	swait.ge [sflag:s23], $0x4000  }
0x245: {  	s7 =	sld [smem:$0x7FC]  }
0x246: {  	p0 =	sne.s32 s1, $0x1;
	[sflag:s23] =	ssyncset.done $0x0  }
.Ltmp1:
0x247: {  	[sflag:s23] =	ssyncadd.s32 $0xFFFFC000;
	(pc) =	sbr.rel @p0 .LBB2_2-.Ltmp1, $4  }
0x248: {  	[hbm4b:s7+s3] =	stream.linear.scatter [tilespmem:s13], [sflag:$0xB], $0x4000, $0x38;
	[tilespmem:$0x1D000] =	vst v63  }
0x249: {  	_ =	swait.ge [sflag:s26], $0x4000  }
0x24a: {  	[sflag:s26] =	ssyncset.done $0x0  }
0x24b: {  	s1 =	sadd.s32 $0xFFFFFFFF, s1;
	s0 =	sld [smem:$0x7FD];
	[sflag:s26] =	ssyncadd.s32 $0xFFFFC000  }
.LBB2_3:
0x24c: {  	_ =	sdelay $0x1  }
0x24d: {  	[hbm4b:s0+s3] =	stream.linear.scatter [tilespmem:s14], [sflag:$0xC], $0x4000, $0x38;
	[tilespmem:$0x1D000] =	vst v63  }
0x24e: {  	_ =	swait.ge [sflag:s30], $0x4000  }
0x24f: {  	[sflag:s30] =	ssyncset.done $0x0  }
0x250: {  	[sflag:s30] =	ssyncadd.s32 $0xFFFFC000  }
0x251: {  	_ =	swait.ge [sflag:s31], $0x4000  }
0x252: {  	[sflag:s31] =	ssyncset.done $0x0  }
0x253: {  	[sflag:s31] =	ssyncadd.s32 $0xFFFFC000  }
0x254: {  	_ =	swait.ge [sflag:s17], $0x4000  }
0x255: {  	[sflag:s17] =	ssyncset.done $0x0  }
0x256: {  	[sflag:s17] =	ssyncadd.s32 $0xFFFFC000  }
0x257: {  	_ =	swait.ge [sflag:s20], $0x4000  }
0x258: {  	[sflag:s20] =	ssyncset.done $0x0  }
0x259: {  	[sflag:s20] =	ssyncadd.s32 $0xFFFFC000  }
0x25a: {  	_ =	swait.ge [sflag:s22], $0x4000  }
0x25b: {  	[sflag:s22] =	ssyncset.done $0x0  }
0x25c: {  	[sflag:s22] =	ssyncadd.s32 $0xFFFFC000  }
0x25d: {  	_ =	swait.ge [sflag:s24], $0x4000  }
0x25e: {  	[sflag:s24] =	ssyncset.done $0x0  }
0x25f: {  	[sflag:s24] =	ssyncadd.s32 $0xFFFFC000  }
0x260: {  	_ =	swait.ge [sflag:s25], $0x4000  }
0x261: {  	[sflag:s25] =	ssyncset.done $0x0  }
0x262: {  	[sflag:s25] =	ssyncadd.s32 $0xFFFFC000  }
0x263: {  	_ =	sfence.sel $0x180000  }
0x264: {  	[bflag:$0x0] =	sbarrier.arrive $0xFFFF  }
0x265: {  	_ =	strace $0x90000047  }
0x266: {  	s31 =	stileid.u32;
	[bflag:$0x2] =	sbarrier.arrive $0xFFFF  }
0x267: {  	p0 =	sne.s32 s31, $0x0;
	s0 =	rddreg [dreg:$0x3]  }
0x268: {  	s0 =	sadd.s32 @!p0 $0x100000, s0  }
0x269: {  	[sflag:s0] =	ssyncadd.tile.s32 @!p0 $0x1;
	_ =	shalt  }
.Lfunc_end2:
_tile_overlayer_lowered:
.L_overlay_start_2:
0x26a: {  	(tag) =	ssettag $0x2  }
0x26b: {  	s0 =	rddreg [dreg:$0x0];
	s2 =	stileid.u32  }
0x26c: {  	s1 =	rddreg [dreg:$0x1];
	p0 =	sne.s32 s2, $0x0  }
0x26d: {  	s3 =	rddreg [dreg:$0x2];
	[bflag:$0x3] =	sbarrier.arrive $0xFFFF;
	s2 =	simm.s32 @!p0 $0x1C0F  }
0x26e: {  	[timem:s3], [sflag:s2] =	dma.local @!p0 [hbm:s0], s1  }
0x26f: {  	s0 =	simm.s32 @!p0 $0xF  }
0x270: {  	_ =	swait.ge @!p0 [sflag:s0], s1  }
0x271: {  	s1 =	ssub.s32 @!p0 $0x0, s1;
	[sflag:s0] =	ssyncset.done @!p0 $0x0  }
0x272: {  	[sflag:s0] =	ssyncadd.s32 @!p0 s1  }
0x273: {  	[bflag:$0x3] =	sbarrier.arrive $0xFFFF  }
0x274: {  	_ =	shalt  }

</sc_bundles>
